<compile_context>
chip_gen: v7x
topology: tpu7x:2x2x1
jax: 0.10.2.dev20260603
libtpu: 0.0.44.dev20260713+nightly
codegen_flags: <defaults>
</compile_context>

<pallas_src>
import jax
import jax.numpy as jnp
from jax import lax
from jax.experimental import pallas as pl
from jax.experimental.pallas import tpu as pltpu
from jax.experimental.pallas import tpu_sc as plsc

N = 10000
E = 320000
D = 128
NP = 10240
NC = 2
NS = 16
NW = NC * NS
C = 128
K = -(-E // (NW * C))
EP = NW * K * C
SEG = NP // NS

_f32 = jnp.float32


def _ZV():
    return jnp.zeros((16,), _f32)


def _ONEV():
    return jnp.ones((16,), _f32)


_mesh = plsc.VectorSubcoreMesh(
    core_axis_name="c", subcore_axis_name="s", num_cores=NC, num_subcores=NS)


def _zero_1d(ref, n):
    def body(i, _):
        ref[pl.ds(i * 16, 16)] = _ZV()
        return 0
    lax.fori_loop(0, n // 16, body, 0)



def _deg_body(src_hbm, dst_hbm, out_hbm,
              src_v, dst_v, do_loc, di_loc, slots_sh, acc_v, tmp_v):
    c = lax.axis_index("c")
    s = lax.axis_index("s")
    w = c * NS + s
    pltpu.sync_copy(src_hbm.at[w], src_v)
    pltpu.sync_copy(dst_hbm.at[w], dst_v)
    _zero_1d(do_loc, NP)
    _zero_1d(di_loc, NP)

    def hloop(j, _):
        one = _ONEV()
        for i in range(C // 16):
            si = src_v[j, pl.ds(i * 16, 16)]
            di = dst_v[j, pl.ds(i * 16, 16)]
            plsc.addupdate_scatter(do_loc, [si], one)
            plsc.addupdate_scatter(di_loc, [di], one)
        return 0
    lax.fori_loop(0, K, hloop, 0)

    for r, loc in ((0, do_loc), (1, di_loc)):
        pltpu.sync_copy(loc, slots_sh.at[s])
        plsc.subcore_barrier()
        _zero_1d(acc_v, SEG)

        def rloop(k, _):
            pltpu.sync_copy(slots_sh.at[k, pl.ds(s * SEG, SEG)], tmp_v)

            def aloop(i, _):
                acc_v[pl.ds(i * 16, 16)] = (acc_v[pl.ds(i * 16, 16)]
                                            + tmp_v[pl.ds(i * 16, 16)])
                return 0
            lax.fori_loop(0, SEG // 16, aloop, 0)
            return 0
        lax.fori_loop(0, NS, rloop, 0)
        pltpu.sync_copy(acc_v, out_hbm.at[c, r, pl.ds(s * SEG, SEG)])
        plsc.subcore_barrier()


_deg_call = pl.kernel(
    _deg_body,
    out_type=jax.ShapeDtypeStruct((NC, 2, NP), _f32),
    mesh=_mesh,
    scratch_types=[
        pltpu.VMEM((K, C), jnp.int32),
        pltpu.VMEM((K, C), jnp.int32),
        pltpu.VMEM((NP,), _f32),
        pltpu.VMEM((NP,), _f32),
        pltpu.VMEM_SHARED((NS, NP), _f32),
        pltpu.VMEM((SEG,), _f32),
        pltpu.VMEM((SEG,), _f32),
    ],
    compiler_params=pltpu.CompilerParams(needs_layout_passes=False),
)



def _agg_body(src_hbm, dst_hbm, h_hbm, nd_hbm, agg_out, s_out,
              src_v, dst_v, rows_v, ndv, zrow_v, zs_v, agg_sh, s_sh, sem):
    c = lax.axis_index("c")
    s = lax.axis_index("s")
    w = c * NS + s
    pltpu.sync_copy(src_hbm.at[w], src_v)
    pltpu.sync_copy(dst_hbm.at[w], dst_v)

    def zr(i, _):
        for t in range(8):
            zrow_v[i, pl.ds(t * 16, 16)] = _ZV()
        return 0
    lax.fori_loop(0, 16, zr, 0)
    _zero_1d(zs_v, SEG)

    def zagg(i, _):
        pltpu.sync_copy(zrow_v, agg_sh.at[pl.ds(s * SEG + i * 16, 16)])
        return 0
    lax.fori_loop(0, SEG // 16, zagg, 0)
    pltpu.sync_copy(zs_v, s_sh.at[pl.ds(s * SEG, SEG)])
    plsc.subcore_barrier()

    def chunk(j, _):
        pltpu.async_copy(h_hbm.at[src_v.at[j]], rows_v, sem).wait()
        pltpu.sync_copy(rows_v, agg_sh.at[dst_v.at[j]], add=True)
        pltpu.async_copy(nd_hbm.at[dst_v.at[j]], ndv, sem).wait()
        pltpu.sync_copy(ndv, s_sh.at[src_v.at[j]], add=True)
        return 0
    lax.fori_loop(0, K, chunk, 0)
    plsc.subcore_barrier()

    pltpu.sync_copy(agg_sh.at[pl.ds(s * SEG, SEG)],
                    agg_out.at[c, pl.ds(s * SEG, SEG)])
    pltpu.sync_copy(s_sh.at[pl.ds(s * SEG, SEG)],
                    s_out.at[c, pl.ds(s * SEG, SEG)])


_agg_call = pl.kernel(
    _agg_body,
    out_type=(jax.ShapeDtypeStruct((NC, NP, D), _f32),
              jax.ShapeDtypeStruct((NC, NP), _f32)),
    mesh=_mesh,
    scratch_types=[
        pltpu.VMEM((K, C), jnp.int32),
        pltpu.VMEM((K, C), jnp.int32),
        pltpu.VMEM((C, D), _f32),
        pltpu.VMEM((C,), _f32),
        pltpu.VMEM((16, D), _f32),
        pltpu.VMEM((SEG,), _f32),
        pltpu.VMEM_SHARED((NP, D), _f32),
        pltpu.VMEM_SHARED((NP,), _f32),
        pltpu.SemaphoreType.DMA,
    ],
    compiler_params=pltpu.CompilerParams(needs_layout_passes=False),
)



def _k1_body(dp_ref, x_ref, w1_ref, h_ref, nsnd_ref):
    dp = dp_ref[...]
    deg_o = dp[:, 0:1] + dp[:, 2:3]
    deg_i = dp[:, 1:2] + dp[:, 3:4]
    ns = jnp.where(deg_o > 0, lax.rsqrt(jnp.maximum(deg_o, 1e-12)), 0.0)
    nd = jnp.where(deg_i > 0, lax.rsqrt(jnp.maximum(deg_i, 1e-12)), 0.0)
    nsnd_ref[...] = jnp.concatenate([ns, nd], axis=1)
    x = x_ref[...]
    h_ref[...] = jnp.dot(x * ns, w1_ref[...],
                         preferred_element_type=jnp.float32)


_k1_call = pl.pallas_call(
    _k1_body,
    out_shape=(jax.ShapeDtypeStruct((NP, D), _f32),
               jax.ShapeDtypeStruct((NP, 2), _f32)),
)



def _k2_body(ap_ref, sp_ref, nsnd_ref, b1_ref, w2_ref, b2_ref, wc_ref,
             bc_ref, out_ref):
    agg = ap_ref[0] + ap_ref[1]
    sp = sp_ref[...]
    srow = sp[:, 0:1] + sp[:, 1:2]
    ns = nsnd_ref[:, 0:1]
    nd = nsnd_ref[:, 1:2]
    h1 = jnp.maximum(agg * nd + b1_ref[...], 0.0)
    rowmask = lax.broadcasted_iota(jnp.int32, (NP, 1), 0) < N
    cvec = jnp.where(rowmask, ns * srow, 0.0)
    v = jnp.sum(h1 * cvec, axis=0, keepdims=True)
    hg = (jnp.dot(v, w2_ref[...], preferred_element_type=jnp.float32)
          * (1.0 / N) + b2_ref[...])
    out_ref[...] = (jnp.dot(hg, wc_ref[...],
                            preferred_element_type=jnp.float32) + bc_ref[...])


_k2_call = pl.pallas_call(
    _k2_body,
    out_shape=jax.ShapeDtypeStruct((1, 2), _f32),
)


def kernel(features, edge_index, W1, b1, W2, b2, Wc, bc):
    pad = jnp.full((EP - E,), N, jnp.int32)
    src = jnp.concatenate([edge_index[0], pad]).reshape(NW, K, C)
    dst = jnp.concatenate([edge_index[1], pad]).reshape(NW, K, C)

    deg = _deg_call(src, dst)
    dp4 = deg.reshape(4, NP).T
    xpad = jnp.concatenate(
        [features, jnp.zeros((NP - N, D), _f32)], axis=0)
    H, nsnd = _k1_call(dp4, xpad, W1)
    nd_flat = nsnd[:, 1]

    aggp, sp = _agg_call(src, dst, H, nd_flat)
    sp2 = sp.reshape(NC, NP).T
    logits = _k2_call(aggp, sp2, nsnd,
                      b1.reshape(1, D), W2, b2.reshape(1, D),
                      Wc, bc.reshape(1, 2))
    return logits

# --- scband reference (transcript-rebuilt; emitter-appended) ---
"""Pipeline reference for scband-gcn-79955111182893 (READ-ONLY COPY).

The authoritative reference and input builder live on the scoring server;
editing this copy changes nothing except your own understanding.
"""

import jax, jax.numpy as jnp
import numpy as np

N = 10000
E = 320000
D_IN = 128
D_HID = 128
D_OUT = 128
N_CLASSES = 2  # PROTEINS dataset num_classes


def setup_inputs(seed: int = 0) -> dict:
    key = jax.random.key(seed)
    ks = jax.random.split(key, 8)
    features = jax.random.normal(ks[0], (N, D_IN), dtype=jnp.float32)
    edge_index = jax.random.randint(ks[1], (2, E), 0, N, dtype=jnp.int32)
    W1 = jax.random.normal(ks[2], (D_IN, D_HID), dtype=jnp.float32) * 0.05
    b1 = jnp.zeros((D_HID,), dtype=jnp.float32)
    W2 = jax.random.normal(ks[3], (D_HID, D_OUT), dtype=jnp.float32) * 0.05
    b2 = jnp.zeros((D_OUT,), dtype=jnp.float32)
    Wc = jax.random.normal(ks[4], (D_OUT, N_CLASSES), dtype=jnp.float32) * 0.05
    bc = jnp.zeros((N_CLASSES,), dtype=jnp.float32)
    return {"features": features, "edge_index": edge_index,
            "W1": W1, "b1": b1, "W2": W2, "b2": b2, "Wc": Wc, "bc": bc}


def _gcn_conv(x, src, dst, W, b):
    # DGL GraphConv with norm='both': D_dst^{-1/2} A D_src^{-1/2} X W + b
    ones = jnp.ones((E,), dtype=jnp.float32)
    deg_out = jnp.zeros((N,), dtype=jnp.float32).at[src].add(ones)
    deg_in = jnp.zeros((N,), dtype=jnp.float32).at[dst].add(ones)
    norm_src = jnp.where(deg_out > 0, jax.lax.rsqrt(jnp.maximum(deg_out, 1e-12)), 0.0)
    norm_dst = jnp.where(deg_in > 0, jax.lax.rsqrt(jnp.maximum(deg_in, 1e-12)), 0.0)
    h = x * norm_src[:, None]
    h = h @ W
    m = jnp.take(h, src, axis=0)
    agg = jax.ops.segment_sum(m, dst, num_segments=N)
    agg = agg * norm_dst[:, None]
    return agg + b


def reference(features, edge_index, W1, b1, W2, b2, Wc, bc):
    src = edge_index[0]
    dst = edge_index[1]
    h = _gcn_conv(features, src, dst, W1, b1)
    h = jax.nn.relu(h)
    h = _gcn_conv(h, src, dst, W2, b2)
    # dgl.mean_nodes over the single (batched) graph -> [1, D_OUT]
    hg = jnp.mean(h, axis=0, keepdims=True)
    logits = hg @ Wc + bc
    return logits

if __name__ == "__main__":
    import jax
    _d = setup_inputs()
    print(jax.jit(kernel)(*tuple(_d.values())))

</pallas_src>

<mosaic_0001>
#map = affine_map<(d0, d1) -> (0, 0, 0)>
module attributes {stable_mosaic.version = 14 : i64} {
  func.func @_deg_body(%arg0: i32, %arg1: i32, %arg2: memref<32x79x128xi32, #tpu.memory_space<hbm>>, %arg3: memref<32x79x128xi32, #tpu.memory_space<hbm>>, %arg4: memref<2x2x10240xf32, #tpu.memory_space<hbm>>, %arg5: memref<79x128xi32, #tpu.memory_space<vmem>>, %arg6: memref<79x128xi32, #tpu.memory_space<vmem>>, %arg7: memref<10240xf32, #tpu.memory_space<vmem>>, %arg8: memref<10240xf32, #tpu.memory_space<vmem>>, %arg9: memref<16x10240xf32, #tpu.memory_space<vmem_shared>>, %arg10: memref<640xf32, #tpu.memory_space<vmem>>, %arg11: memref<640xf32, #tpu.memory_space<vmem>>) attributes {dimension_semantics = [#tpu.dimension_semantics<core_parallel>, #tpu.dimension_semantics<subcore_parallel>], iteration_bounds = array<i64: 2, 16>, scalar_prefetch = 0 : i64, scratch_operands = 7 : i64, tpu.core_type = #tpu.core_type<sc_vector_subcore>, window_params = [{transform_indices = #map}, {transform_indices = #map}, {transform_indices = #map}]} {
    %mul3A = arith.constant 16 : i32
    %mul3A_0 = arith.muli %arg0, %mul3A : i32
    %add3A = arith.addi %mul3A_0, %arg1 : i32
    "tpu.region"() ({
      %run_scoped3A_57 = tpu.sem_alloc : memref<!tpu.dma_semaphore, #tpu.memory_space<semaphore_mem>>
      %dma_start3A = arith.constant 0 : i32
      %dma_start3A_58 = arith.constant 0 : i32
      %dma_start3A_59 = tpu.memref_slice %arg2[%add3A, %dma_start3A, %dma_start3A_58] : memref<32x79x128xi32, #tpu.memory_space<hbm>> -> memref<1x79x128xi32, #tpu.memory_space<hbm>>
      %dma_start3A_60 = tpu.memref_squeeze %dma_start3A_59 : memref<1x79x128xi32, #tpu.memory_space<hbm>> -> memref<79x128xi32, #tpu.memory_space<hbm>>
      %dma_start3A_61 = arith.constant 0 : i32
      %dma_start3A_62 = arith.constant 0 : i32
      %dma_start3A_63 = tpu.memref_slice %arg2[%add3A, %dma_start3A_61, %dma_start3A_62] : memref<32x79x128xi32, #tpu.memory_space<hbm>> -> memref<1x79x128xi32, #tpu.memory_space<hbm>>
      %dma_start3A_64 = tpu.memref_squeeze %dma_start3A_63 : memref<1x79x128xi32, #tpu.memory_space<hbm>> -> memref<79x128xi32, #tpu.memory_space<hbm>>
      tpu.enqueue_dma source(%dma_start3A_64 : memref<79x128xi32, #tpu.memory_space<hbm>>) target(%arg5 : memref<79x128xi32, #tpu.memory_space<vmem>>) target_semaphore(%run_scoped3A_57 : memref<!tpu.dma_semaphore, #tpu.memory_space<semaphore_mem>>)
      %dma_wait3A = arith.constant 0 : i32
      %dma_wait3A_65 = arith.constant 0 : i32
      %dma_wait3A_66 = tpu.memref_slice %arg2[%add3A, %dma_wait3A, %dma_wait3A_65] : memref<32x79x128xi32, #tpu.memory_space<hbm>> -> memref<1x79x128xi32, #tpu.memory_space<hbm>>
      %dma_wait3A_67 = tpu.memref_squeeze %dma_wait3A_66 : memref<1x79x128xi32, #tpu.memory_space<hbm>> -> memref<79x128xi32, #tpu.memory_space<hbm>>
      %dma_wait3A_68 = arith.constant 0 : i32
      %dma_wait3A_69 = arith.constant 0 : i32
      %dma_wait3A_70 = tpu.memref_slice %arg2[%add3A, %dma_wait3A_68, %dma_wait3A_69] : memref<32x79x128xi32, #tpu.memory_space<hbm>> -> memref<1x79x128xi32, #tpu.memory_space<hbm>>
      %dma_wait3A_71 = tpu.memref_squeeze %dma_wait3A_70 : memref<1x79x128xi32, #tpu.memory_space<hbm>> -> memref<79x128xi32, #tpu.memory_space<hbm>>
      tpu.wait_dma2 semaphore(%run_scoped3A_57 : memref<!tpu.dma_semaphore, #tpu.memory_space<semaphore_mem>>) src(%dma_wait3A_71 : memref<79x128xi32, #tpu.memory_space<hbm>>) dst(%arg5 : memref<79x128xi32, #tpu.memory_space<vmem>>)
      tpu.yield
    }) : () -> ()
    "tpu.region"() ({
      %run_scoped3A_57 = tpu.sem_alloc : memref<!tpu.dma_semaphore, #tpu.memory_space<semaphore_mem>>
      %dma_start3A = arith.constant 0 : i32
      %dma_start3A_58 = arith.constant 0 : i32
      %dma_start3A_59 = tpu.memref_slice %arg3[%add3A, %dma_start3A, %dma_start3A_58] : memref<32x79x128xi32, #tpu.memory_space<hbm>> -> memref<1x79x128xi32, #tpu.memory_space<hbm>>
      %dma_start3A_60 = tpu.memref_squeeze %dma_start3A_59 : memref<1x79x128xi32, #tpu.memory_space<hbm>> -> memref<79x128xi32, #tpu.memory_space<hbm>>
      %dma_start3A_61 = arith.constant 0 : i32
      %dma_start3A_62 = arith.constant 0 : i32
      %dma_start3A_63 = tpu.memref_slice %arg3[%add3A, %dma_start3A_61, %dma_start3A_62] : memref<32x79x128xi32, #tpu.memory_space<hbm>> -> memref<1x79x128xi32, #tpu.memory_space<hbm>>
      %dma_start3A_64 = tpu.memref_squeeze %dma_start3A_63 : memref<1x79x128xi32, #tpu.memory_space<hbm>> -> memref<79x128xi32, #tpu.memory_space<hbm>>
      tpu.enqueue_dma source(%dma_start3A_64 : memref<79x128xi32, #tpu.memory_space<hbm>>) target(%arg6 : memref<79x128xi32, #tpu.memory_space<vmem>>) target_semaphore(%run_scoped3A_57 : memref<!tpu.dma_semaphore, #tpu.memory_space<semaphore_mem>>)
      %dma_wait3A = arith.constant 0 : i32
      %dma_wait3A_65 = arith.constant 0 : i32
      %dma_wait3A_66 = tpu.memref_slice %arg3[%add3A, %dma_wait3A, %dma_wait3A_65] : memref<32x79x128xi32, #tpu.memory_space<hbm>> -> memref<1x79x128xi32, #tpu.memory_space<hbm>>
      %dma_wait3A_67 = tpu.memref_squeeze %dma_wait3A_66 : memref<1x79x128xi32, #tpu.memory_space<hbm>> -> memref<79x128xi32, #tpu.memory_space<hbm>>
      %dma_wait3A_68 = arith.constant 0 : i32
      %dma_wait3A_69 = arith.constant 0 : i32
      %dma_wait3A_70 = tpu.memref_slice %arg3[%add3A, %dma_wait3A_68, %dma_wait3A_69] : memref<32x79x128xi32, #tpu.memory_space<hbm>> -> memref<1x79x128xi32, #tpu.memory_space<hbm>>
      %dma_wait3A_71 = tpu.memref_squeeze %dma_wait3A_70 : memref<1x79x128xi32, #tpu.memory_space<hbm>> -> memref<79x128xi32, #tpu.memory_space<hbm>>
      tpu.wait_dma2 semaphore(%run_scoped3A_57 : memref<!tpu.dma_semaphore, #tpu.memory_space<semaphore_mem>>) src(%dma_wait3A_71 : memref<79x128xi32, #tpu.memory_space<hbm>>) dst(%arg6 : memref<79x128xi32, #tpu.memory_space<vmem>>)
      tpu.yield
    }) : () -> ()
    %scan3A = arith.constant 0 : i32
    %scan3A_1 = arith.constant 0 : i32
    %scan3A_2 = arith.constant 640 : i32
    %scan3A_3 = arith.addi %scan3A_1, %scan3A_2 : i32
    %scan3A_4 = arith.constant 1 : i32
    %scan3A_5 = scf.for %scan3A_57 = %scan3A_1 to %scan3A_3 step %scan3A_4 iter_args(%scan3A_58 = %scan3A) -> (i32)  : i32 {
      %broadcast_in_dim3A = arith.constant 0.000000e+00 : f32
      %broadcast_in_dim3A_59 = vector.broadcast %broadcast_in_dim3A : f32 to vector<16xf32>
      %mul3A_60 = arith.constant 16 : i32
      %mul3A_61 = arith.muli %scan3A_57, %mul3A_60 : i32
      %swap3A = arith.index_cast %mul3A_61 : i32 to index
      %swap3A_62 = tpu.vector_load %arg7[%swap3A] {strides = array<i32>} : memref<10240xf32, #tpu.memory_space<vmem>>, vector<16xf32>,
      tpu.vector_store %arg7[%swap3A], %broadcast_in_dim3A_59 {strides = array<i32>} : memref<10240xf32, #tpu.memory_space<vmem>>, vector<16xf32>,
      %scan3A_63 = arith.constant 0 : i32
      scf.yield %scan3A_63 : i32
    }
    %scan3A_6 = arith.constant 640 : i32
    %scan3A_7 = arith.constant 0 : i32
    %scan3A_8 = arith.constant 0 : i32
    %scan3A_9 = arith.constant 640 : i32
    %scan3A_10 = arith.addi %scan3A_8, %scan3A_9 : i32
    %scan3A_11 = arith.constant 1 : i32
    %scan3A_12 = scf.for %scan3A_57 = %scan3A_8 to %scan3A_10 step %scan3A_11 iter_args(%scan3A_58 = %scan3A_7) -> (i32)  : i32 {
      %broadcast_in_dim3A = arith.constant 0.000000e+00 : f32
      %broadcast_in_dim3A_59 = vector.broadcast %broadcast_in_dim3A : f32 to vector<16xf32>
      %mul3A_60 = arith.constant 16 : i32
      %mul3A_61 = arith.muli %scan3A_57, %mul3A_60 : i32
      %swap3A = arith.index_cast %mul3A_61 : i32 to index
      %swap3A_62 = tpu.vector_load %arg8[%swap3A] {strides = array<i32>} : memref<10240xf32, #tpu.memory_space<vmem>>, vector<16xf32>,
      tpu.vector_store %arg8[%swap3A], %broadcast_in_dim3A_59 {strides = array<i32>} : memref<10240xf32, #tpu.memory_space<vmem>>, vector<16xf32>,
      %scan3A_63 = arith.constant 0 : i32
      scf.yield %scan3A_63 : i32
    }
    %scan3A_13 = arith.constant 640 : i32
    %scan3A_14 = arith.constant 0 : i32
    %scan3A_15 = arith.constant 0 : i32
    %scan3A_16 = arith.constant 79 : i32
    %scan3A_17 = arith.addi %scan3A_15, %scan3A_16 : i32
    %scan3A_18 = arith.constant 1 : i32
    %scan3A_19 = scf.for %scan3A_57 = %scan3A_15 to %scan3A_17 step %scan3A_18 iter_args(%scan3A_58 = %scan3A_14) -> (i32)  : i32 {
      %broadcast_in_dim3A = arith.constant 1.000000e+00 : f32
      %broadcast_in_dim3A_59 = vector.broadcast %broadcast_in_dim3A : f32 to vector<16xf32>
      %get3A = arith.index_cast %scan3A_57 : i32 to index
      %get3A_60 = arith.constant 0 : index
      %get3A_61 = tpu.vector_load %arg5[%get3A, %get3A_60] {strides = array<i32>} : memref<79x128xi32, #tpu.memory_space<vmem>>, vector<16xi32>,
      %get3A_62 = arith.index_cast %scan3A_57 : i32 to index
      %get3A_63 = arith.constant 0 : index
      %get3A_64 = tpu.vector_load %arg6[%get3A_62, %get3A_63] {strides = array<i32>} : memref<79x128xi32, #tpu.memory_space<vmem>>, vector<16xi32>,
      tpu.vector_store_idx %arg7[%get3A_61], %broadcast_in_dim3A_59 {add = true} : memref<10240xf32, #tpu.memory_space<vmem>>[vector<16xi32>], vector<16xf32>,
      tpu.vector_store_idx %arg8[%get3A_64], %broadcast_in_dim3A_59 {add = true} : memref<10240xf32, #tpu.memory_space<vmem>>[vector<16xi32>], vector<16xf32>,
      %get3A_65 = arith.index_cast %scan3A_57 : i32 to index
      %get3A_66 = arith.constant 16 : index
      %get3A_67 = tpu.vector_load %arg5[%get3A_65, %get3A_66] {strides = array<i32>} : memref<79x128xi32, #tpu.memory_space<vmem>>, vector<16xi32>,
      %get3A_68 = arith.index_cast %scan3A_57 : i32 to index
      %get3A_69 = arith.constant 16 : index
      %get3A_70 = tpu.vector_load %arg6[%get3A_68, %get3A_69] {strides = array<i32>} : memref<79x128xi32, #tpu.memory_space<vmem>>, vector<16xi32>,
      tpu.vector_store_idx %arg7[%get3A_67], %broadcast_in_dim3A_59 {add = true} : memref<10240xf32, #tpu.memory_space<vmem>>[vector<16xi32>], vector<16xf32>,
      tpu.vector_store_idx %arg8[%get3A_70], %broadcast_in_dim3A_59 {add = true} : memref<10240xf32, #tpu.memory_space<vmem>>[vector<16xi32>], vector<16xf32>,
      %get3A_71 = arith.index_cast %scan3A_57 : i32 to index
      %get3A_72 = arith.constant 32 : index
      %get3A_73 = tpu.vector_load %arg5[%get3A_71, %get3A_72] {strides = array<i32>} : memref<79x128xi32, #tpu.memory_space<vmem>>, vector<16xi32>,
      %get3A_74 = arith.index_cast %scan3A_57 : i32 to index
      %get3A_75 = arith.constant 32 : index
      %get3A_76 = tpu.vector_load %arg6[%get3A_74, %get3A_75] {strides = array<i32>} : memref<79x128xi32, #tpu.memory_space<vmem>>, vector<16xi32>,
      tpu.vector_store_idx %arg7[%get3A_73], %broadcast_in_dim3A_59 {add = true} : memref<10240xf32, #tpu.memory_space<vmem>>[vector<16xi32>], vector<16xf32>,
      tpu.vector_store_idx %arg8[%get3A_76], %broadcast_in_dim3A_59 {add = true} : memref<10240xf32, #tpu.memory_space<vmem>>[vector<16xi32>], vector<16xf32>,
      %get3A_77 = arith.index_cast %scan3A_57 : i32 to index
      %get3A_78 = arith.constant 48 : index
      %get3A_79 = tpu.vector_load %arg5[%get3A_77, %get3A_78] {strides = array<i32>} : memref<79x128xi32, #tpu.memory_space<vmem>>, vector<16xi32>,
      %get3A_80 = arith.index_cast %scan3A_57 : i32 to index
      %get3A_81 = arith.constant 48 : index
      %get3A_82 = tpu.vector_load %arg6[%get3A_80, %get3A_81] {strides = array<i32>} : memref<79x128xi32, #tpu.memory_space<vmem>>, vector<16xi32>,
      tpu.vector_store_idx %arg7[%get3A_79], %broadcast_in_dim3A_59 {add = true} : memref<10240xf32, #tpu.memory_space<vmem>>[vector<16xi32>], vector<16xf32>,
      tpu.vector_store_idx %arg8[%get3A_82], %broadcast_in_dim3A_59 {add = true} : memref<10240xf32, #tpu.memory_space<vmem>>[vector<16xi32>], vector<16xf32>,
      %get3A_83 = arith.index_cast %scan3A_57 : i32 to index
      %get3A_84 = arith.constant 64 : index
      %get3A_85 = tpu.vector_load %arg5[%get3A_83, %get3A_84] {strides = array<i32>} : memref<79x128xi32, #tpu.memory_space<vmem>>, vector<16xi32>,
      %get3A_86 = arith.index_cast %scan3A_57 : i32 to index
      %get3A_87 = arith.constant 64 : index
      %get3A_88 = tpu.vector_load %arg6[%get3A_86, %get3A_87] {strides = array<i32>} : memref<79x128xi32, #tpu.memory_space<vmem>>, vector<16xi32>,
      tpu.vector_store_idx %arg7[%get3A_85], %broadcast_in_dim3A_59 {add = true} : memref<10240xf32, #tpu.memory_space<vmem>>[vector<16xi32>], vector<16xf32>,
      tpu.vector_store_idx %arg8[%get3A_88], %broadcast_in_dim3A_59 {add = true} : memref<10240xf32, #tpu.memory_space<vmem>>[vector<16xi32>], vector<16xf32>,
      %get3A_89 = arith.index_cast %scan3A_57 : i32 to index
      %get3A_90 = arith.constant 80 : index
      %get3A_91 = tpu.vector_load %arg5[%get3A_89, %get3A_90] {strides = array<i32>} : memref<79x128xi32, #tpu.memory_space<vmem>>, vector<16xi32>,
      %get3A_92 = arith.index_cast %scan3A_57 : i32 to index
      %get3A_93 = arith.constant 80 : index
      %get3A_94 = tpu.vector_load %arg6[%get3A_92, %get3A_93] {strides = array<i32>} : memref<79x128xi32, #tpu.memory_space<vmem>>, vector<16xi32>,
      tpu.vector_store_idx %arg7[%get3A_91], %broadcast_in_dim3A_59 {add = true} : memref<10240xf32, #tpu.memory_space<vmem>>[vector<16xi32>], vector<16xf32>,
      tpu.vector_store_idx %arg8[%get3A_94], %broadcast_in_dim3A_59 {add = true} : memref<10240xf32, #tpu.memory_space<vmem>>[vector<16xi32>], vector<16xf32>,
      %get3A_95 = arith.index_cast %scan3A_57 : i32 to index
      %get3A_96 = arith.constant 96 : index
      %get3A_97 = tpu.vector_load %arg5[%get3A_95, %get3A_96] {strides = array<i32>} : memref<79x128xi32, #tpu.memory_space<vmem>>, vector<16xi32>,
      %get3A_98 = arith.index_cast %scan3A_57 : i32 to index
      %get3A_99 = arith.constant 96 : index
      %get3A_100 = tpu.vector_load %arg6[%get3A_98, %get3A_99] {strides = array<i32>} : memref<79x128xi32, #tpu.memory_space<vmem>>, vector<16xi32>,
      tpu.vector_store_idx %arg7[%get3A_97], %broadcast_in_dim3A_59 {add = true} : memref<10240xf32, #tpu.memory_space<vmem>>[vector<16xi32>], vector<16xf32>,
      tpu.vector_store_idx %arg8[%get3A_100], %broadcast_in_dim3A_59 {add = true} : memref<10240xf32, #tpu.memory_space<vmem>>[vector<16xi32>], vector<16xf32>,
      %get3A_101 = arith.index_cast %scan3A_57 : i32 to index
      %get3A_102 = arith.constant 112 : index
      %get3A_103 = tpu.vector_load %arg5[%get3A_101, %get3A_102] {strides = array<i32>} : memref<79x128xi32, #tpu.memory_space<vmem>>, vector<16xi32>,
      %get3A_104 = arith.index_cast %scan3A_57 : i32 to index
      %get3A_105 = arith.constant 112 : index
      %get3A_106 = tpu.vector_load %arg6[%get3A_104, %get3A_105] {strides = array<i32>} : memref<79x128xi32, #tpu.memory_space<vmem>>, vector<16xi32>,
      tpu.vector_store_idx %arg7[%get3A_103], %broadcast_in_dim3A_59 {add = true} : memref<10240xf32, #tpu.memory_space<vmem>>[vector<16xi32>], vector<16xf32>,
      tpu.vector_store_idx %arg8[%get3A_106], %broadcast_in_dim3A_59 {add = true} : memref<10240xf32, #tpu.memory_space<vmem>>[vector<16xi32>], vector<16xf32>,
      %scan3A_107 = arith.constant 0 : i32
      scf.yield %scan3A_107 : i32
    }
    %scan3A_20 = arith.constant 79 : i32
    "tpu.region"() ({
      %run_scoped3A_57 = tpu.sem_alloc : memref<!tpu.dma_semaphore, #tpu.memory_space<semaphore_mem>>
      %dma_start3A = arith.constant 0 : i32
      %dma_start3A_58 = tpu.memref_slice %arg9[%arg1, %dma_start3A] : memref<16x10240xf32, #tpu.memory_space<vmem_shared>> -> memref<1x10240xf32, #tpu.memory_space<vmem_shared>>
      %dma_start3A_59 = tpu.memref_squeeze %dma_start3A_58 : memref<1x10240xf32, #tpu.memory_space<vmem_shared>> -> memref<10240xf32, #tpu.memory_space<vmem_shared>>
      %dma_start3A_60 = arith.constant 0 : i32
      %dma_start3A_61 = tpu.memref_slice %arg9[%arg1, %dma_start3A_60] : memref<16x10240xf32, #tpu.memory_space<vmem_shared>> -> memref<1x10240xf32, #tpu.memory_space<vmem_shared>>
      %dma_start3A_62 = tpu.memref_squeeze %dma_start3A_61 : memref<1x10240xf32, #tpu.memory_space<vmem_shared>> -> memref<10240xf32, #tpu.memory_space<vmem_shared>>
      tpu.enqueue_dma source(%arg7 : memref<10240xf32, #tpu.memory_space<vmem>>) target(%dma_start3A_62 : memref<10240xf32, #tpu.memory_space<vmem_shared>>) target_semaphore(%run_scoped3A_57 : memref<!tpu.dma_semaphore, #tpu.memory_space<semaphore_mem>>)
      %dma_wait3A = arith.constant 0 : i32
      %dma_wait3A_63 = tpu.memref_slice %arg9[%arg1, %dma_wait3A] : memref<16x10240xf32, #tpu.memory_space<vmem_shared>> -> memref<1x10240xf32, #tpu.memory_space<vmem_shared>>
      %dma_wait3A_64 = tpu.memref_squeeze %dma_wait3A_63 : memref<1x10240xf32, #tpu.memory_space<vmem_shared>> -> memref<10240xf32, #tpu.memory_space<vmem_shared>>
      %dma_wait3A_65 = arith.constant 0 : i32
      %dma_wait3A_66 = tpu.memref_slice %arg9[%arg1, %dma_wait3A_65] : memref<16x10240xf32, #tpu.memory_space<vmem_shared>> -> memref<1x10240xf32, #tpu.memory_space<vmem_shared>>
      %dma_wait3A_67 = tpu.memref_squeeze %dma_wait3A_66 : memref<1x10240xf32, #tpu.memory_space<vmem_shared>> -> memref<10240xf32, #tpu.memory_space<vmem_shared>>
      tpu.wait_dma2 semaphore(%run_scoped3A_57 : memref<!tpu.dma_semaphore, #tpu.memory_space<semaphore_mem>>) src(%arg7 : memref<10240xf32, #tpu.memory_space<vmem>>) dst(%dma_wait3A_67 : memref<10240xf32, #tpu.memory_space<vmem_shared>>)
      tpu.yield
    }) : () -> ()
    %barrier3A = arith.constant 0 : index
    tpu.barrier barrier_id(%barrier3A)
    %scan3A_21 = arith.constant 0 : i32
    %scan3A_22 = arith.constant 0 : i32
    %scan3A_23 = arith.constant 40 : i32
    %scan3A_24 = arith.addi %scan3A_22, %scan3A_23 : i32
    %scan3A_25 = arith.constant 1 : i32
    %scan3A_26 = scf.for %scan3A_57 = %scan3A_22 to %scan3A_24 step %scan3A_25 iter_args(%scan3A_58 = %scan3A_21) -> (i32)  : i32 {
      %broadcast_in_dim3A = arith.constant 0.000000e+00 : f32
      %broadcast_in_dim3A_59 = vector.broadcast %broadcast_in_dim3A : f32 to vector<16xf32>
      %mul3A_60 = arith.constant 16 : i32
      %mul3A_61 = arith.muli %scan3A_57, %mul3A_60 : i32
      %swap3A = arith.index_cast %mul3A_61 : i32 to index
      %swap3A_62 = tpu.vector_load %arg10[%swap3A] {strides = array<i32>} : memref<640xf32, #tpu.memory_space<vmem>>, vector<16xf32>,
      tpu.vector_store %arg10[%swap3A], %broadcast_in_dim3A_59 {strides = array<i32>} : memref<640xf32, #tpu.memory_space<vmem>>, vector<16xf32>,
      %scan3A_63 = arith.constant 0 : i32
      scf.yield %scan3A_63 : i32
    }
    %scan3A_27 = arith.constant 40 : i32
    %scan3A_28 = arith.constant 0 : i32
    %scan3A_29 = arith.constant 0 : i32
    %scan3A_30 = arith.constant 16 : i32
    %scan3A_31 = arith.addi %scan3A_29, %scan3A_30 : i32
    %scan3A_32 = arith.constant 1 : i32
    %scan3A_33 = scf.for %scan3A_57 = %scan3A_29 to %scan3A_31 step %scan3A_32 iter_args(%scan3A_58 = %scan3A_28) -> (i32)  : i32 {
      %mul3A_59 = arith.constant 640 : i32
      %mul3A_60 = arith.muli %arg1, %mul3A_59 : i32
      "tpu.region"() ({
        %run_scoped3A_69 = tpu.sem_alloc : memref<!tpu.dma_semaphore, #tpu.memory_space<semaphore_mem>>
        %dma_start3A = tpu.memref_slice %arg9[%scan3A_57, %mul3A_60] : memref<16x10240xf32, #tpu.memory_space<vmem_shared>> -> memref<1x640xf32, #tpu.memory_space<vmem_shared>>
        %dma_start3A_70 = tpu.memref_squeeze %dma_start3A : memref<1x640xf32, #tpu.memory_space<vmem_shared>> -> memref<640xf32, #tpu.memory_space<vmem_shared>>
        %dma_start3A_71 = tpu.memref_slice %arg9[%scan3A_57, %mul3A_60] : memref<16x10240xf32, #tpu.memory_space<vmem_shared>> -> memref<1x640xf32, #tpu.memory_space<vmem_shared>>
        %dma_start3A_72 = tpu.memref_squeeze %dma_start3A_71 : memref<1x640xf32, #tpu.memory_space<vmem_shared>> -> memref<640xf32, #tpu.memory_space<vmem_shared>>
        tpu.enqueue_dma source(%dma_start3A_72 : memref<640xf32, #tpu.memory_space<vmem_shared>>) target(%arg11 : memref<640xf32, #tpu.memory_space<vmem>>) target_semaphore(%run_scoped3A_69 : memref<!tpu.dma_semaphore, #tpu.memory_space<semaphore_mem>>)
        %dma_wait3A = tpu.memref_slice %arg9[%scan3A_57, %mul3A_60] : memref<16x10240xf32, #tpu.memory_space<vmem_shared>> -> memref<1x640xf32, #tpu.memory_space<vmem_shared>>
        %dma_wait3A_73 = tpu.memref_squeeze %dma_wait3A : memref<1x640xf32, #tpu.memory_space<vmem_shared>> -> memref<640xf32, #tpu.memory_space<vmem_shared>>
        %dma_wait3A_74 = tpu.memref_slice %arg9[%scan3A_57, %mul3A_60] : memref<16x10240xf32, #tpu.memory_space<vmem_shared>> -> memref<1x640xf32, #tpu.memory_space<vmem_shared>>
        %dma_wait3A_75 = tpu.memref_squeeze %dma_wait3A_74 : memref<1x640xf32, #tpu.memory_space<vmem_shared>> -> memref<640xf32, #tpu.memory_space<vmem_shared>>
        tpu.wait_dma2 semaphore(%run_scoped3A_69 : memref<!tpu.dma_semaphore, #tpu.memory_space<semaphore_mem>>) src(%dma_wait3A_75 : memref<640xf32, #tpu.memory_space<vmem_shared>>) dst(%arg11 : memref<640xf32, #tpu.memory_space<vmem>>)
        tpu.yield
      }) : () -> ()
      %scan3A_61 = arith.constant 0 : i32
      %scan3A_62 = arith.constant 0 : i32
      %scan3A_63 = arith.constant 40 : i32
      %scan3A_64 = arith.addi %scan3A_62, %scan3A_63 : i32
      %scan3A_65 = arith.constant 1 : i32
      %scan3A_66 = scf.for %scan3A_69 = %scan3A_62 to %scan3A_64 step %scan3A_65 iter_args(%scan3A_70 = %scan3A_61) -> (i32)  : i32 {
        %mul3A_71 = arith.constant 16 : i32
        %mul3A_72 = arith.muli %scan3A_69, %mul3A_71 : i32
        %get3A = arith.index_cast %mul3A_72 : i32 to index
        %get3A_73 = tpu.vector_load %arg10[%get3A] {strides = array<i32>} : memref<640xf32, #tpu.memory_space<vmem>>, vector<16xf32>,
        %mul3A_74 = arith.constant 16 : i32
        %mul3A_75 = arith.muli %scan3A_69, %mul3A_74 : i32
        %get3A_76 = arith.index_cast %mul3A_75 : i32 to index
        %get3A_77 = tpu.vector_load %arg11[%get3A_76] {strides = array<i32>} : memref<640xf32, #tpu.memory_space<vmem>>, vector<16xf32>,
        %add3A_78 = arith.addf %get3A_73, %get3A_77 : vector<16xf32>
        %mul3A_79 = arith.constant 16 : i32
        %mul3A_80 = arith.muli %scan3A_69, %mul3A_79 : i32
        %swap3A = arith.index_cast %mul3A_80 : i32 to index
        %swap3A_81 = tpu.vector_load %arg10[%swap3A] {strides = array<i32>} : memref<640xf32, #tpu.memory_space<vmem>>, vector<16xf32>,
        tpu.vector_store %arg10[%swap3A], %add3A_78 {strides = array<i32>} : memref<640xf32, #tpu.memory_space<vmem>>, vector<16xf32>,
        %scan3A_82 = arith.constant 0 : i32
        scf.yield %scan3A_82 : i32
      }
      %scan3A_67 = arith.constant 40 : i32
      %scan3A_68 = arith.constant 0 : i32
      scf.yield %scan3A_68 : i32
    }
    %scan3A_34 = arith.constant 16 : i32
    %mul3A_35 = arith.constant 640 : i32
    %mul3A_36 = arith.muli %arg1, %mul3A_35 : i32
    %run_scoped3A = arith.constant 0 : i32
    "tpu.region"() ({
      %run_scoped3A_57 = tpu.sem_alloc : memref<!tpu.dma_semaphore, #tpu.memory_space<semaphore_mem>>
      %dma_start3A = tpu.memref_slice %arg4[%arg0, %run_scoped3A, %mul3A_36] : memref<2x2x10240xf32, #tpu.memory_space<hbm>> -> memref<1x1x640xf32, #tpu.memory_space<hbm>>
      %dma_start3A_58 = tpu.memref_squeeze %dma_start3A : memref<1x1x640xf32, #tpu.memory_space<hbm>> -> memref<640xf32, #tpu.memory_space<hbm>>
      %dma_start3A_59 = tpu.memref_slice %arg4[%arg0, %run_scoped3A, %mul3A_36] : memref<2x2x10240xf32, #tpu.memory_space<hbm>> -> memref<1x1x640xf32, #tpu.memory_space<hbm>>
      %dma_start3A_60 = tpu.memref_squeeze %dma_start3A_59 : memref<1x1x640xf32, #tpu.memory_space<hbm>> -> memref<640xf32, #tpu.memory_space<hbm>>
      tpu.enqueue_dma source(%arg10 : memref<640xf32, #tpu.memory_space<vmem>>) target(%dma_start3A_60 : memref<640xf32, #tpu.memory_space<hbm>>) target_semaphore(%run_scoped3A_57 : memref<!tpu.dma_semaphore, #tpu.memory_space<semaphore_mem>>)
      %dma_wait3A = tpu.memref_slice %arg4[%arg0, %run_scoped3A, %mul3A_36] : memref<2x2x10240xf32, #tpu.memory_space<hbm>> -> memref<1x1x640xf32, #tpu.memory_space<hbm>>
      %dma_wait3A_61 = tpu.memref_squeeze %dma_wait3A : memref<1x1x640xf32, #tpu.memory_space<hbm>> -> memref<640xf32, #tpu.memory_space<hbm>>
      %dma_wait3A_62 = tpu.memref_slice %arg4[%arg0, %run_scoped3A, %mul3A_36] : memref<2x2x10240xf32, #tpu.memory_space<hbm>> -> memref<1x1x640xf32, #tpu.memory_space<hbm>>
      %dma_wait3A_63 = tpu.memref_squeeze %dma_wait3A_62 : memref<1x1x640xf32, #tpu.memory_space<hbm>> -> memref<640xf32, #tpu.memory_space<hbm>>
      tpu.wait_dma2 semaphore(%run_scoped3A_57 : memref<!tpu.dma_semaphore, #tpu.memory_space<semaphore_mem>>) src(%arg10 : memref<640xf32, #tpu.memory_space<vmem>>) dst(%dma_wait3A_63 : memref<640xf32, #tpu.memory_space<hbm>>)
      tpu.yield
    }) : () -> ()
    %barrier3A_37 = arith.constant 0 : index
    tpu.barrier barrier_id(%barrier3A_37)
    "tpu.region"() ({
      %run_scoped3A_57 = tpu.sem_alloc : memref<!tpu.dma_semaphore, #tpu.memory_space<semaphore_mem>>
      %dma_start3A = arith.constant 0 : i32
      %dma_start3A_58 = tpu.memref_slice %arg9[%arg1, %dma_start3A] : memref<16x10240xf32, #tpu.memory_space<vmem_shared>> -> memref<1x10240xf32, #tpu.memory_space<vmem_shared>>
      %dma_start3A_59 = tpu.memref_squeeze %dma_start3A_58 : memref<1x10240xf32, #tpu.memory_space<vmem_shared>> -> memref<10240xf32, #tpu.memory_space<vmem_shared>>
      %dma_start3A_60 = arith.constant 0 : i32
      %dma_start3A_61 = tpu.memref_slice %arg9[%arg1, %dma_start3A_60] : memref<16x10240xf32, #tpu.memory_space<vmem_shared>> -> memref<1x10240xf32, #tpu.memory_space<vmem_shared>>
      %dma_start3A_62 = tpu.memref_squeeze %dma_start3A_61 : memref<1x10240xf32, #tpu.memory_space<vmem_shared>> -> memref<10240xf32, #tpu.memory_space<vmem_shared>>
      tpu.enqueue_dma source(%arg8 : memref<10240xf32, #tpu.memory_space<vmem>>) target(%dma_start3A_62 : memref<10240xf32, #tpu.memory_space<vmem_shared>>) target_semaphore(%run_scoped3A_57 : memref<!tpu.dma_semaphore, #tpu.memory_space<semaphore_mem>>)
      %dma_wait3A = arith.constant 0 : i32
      %dma_wait3A_63 = tpu.memref_slice %arg9[%arg1, %dma_wait3A] : memref<16x10240xf32, #tpu.memory_space<vmem_shared>> -> memref<1x10240xf32, #tpu.memory_space<vmem_shared>>
      %dma_wait3A_64 = tpu.memref_squeeze %dma_wait3A_63 : memref<1x10240xf32, #tpu.memory_space<vmem_shared>> -> memref<10240xf32, #tpu.memory_space<vmem_shared>>
      %dma_wait3A_65 = arith.constant 0 : i32
      %dma_wait3A_66 = tpu.memref_slice %arg9[%arg1, %dma_wait3A_65] : memref<16x10240xf32, #tpu.memory_space<vmem_shared>> -> memref<1x10240xf32, #tpu.memory_space<vmem_shared>>
      %dma_wait3A_67 = tpu.memref_squeeze %dma_wait3A_66 : memref<1x10240xf32, #tpu.memory_space<vmem_shared>> -> memref<10240xf32, #tpu.memory_space<vmem_shared>>
      tpu.wait_dma2 semaphore(%run_scoped3A_57 : memref<!tpu.dma_semaphore, #tpu.memory_space<semaphore_mem>>) src(%arg8 : memref<10240xf32, #tpu.memory_space<vmem>>) dst(%dma_wait3A_67 : memref<10240xf32, #tpu.memory_space<vmem_shared>>)
      tpu.yield
    }) : () -> ()
    %barrier3A_38 = arith.constant 0 : index
    tpu.barrier barrier_id(%barrier3A_38)
    %scan3A_39 = arith.constant 0 : i32
    %scan3A_40 = arith.constant 0 : i32
    %scan3A_41 = arith.constant 40 : i32
    %scan3A_42 = arith.addi %scan3A_40, %scan3A_41 : i32
    %scan3A_43 = arith.constant 1 : i32
    %scan3A_44 = scf.for %scan3A_57 = %scan3A_40 to %scan3A_42 step %scan3A_43 iter_args(%scan3A_58 = %scan3A_39) -> (i32)  : i32 {
      %broadcast_in_dim3A = arith.constant 0.000000e+00 : f32
      %broadcast_in_dim3A_59 = vector.broadcast %broadcast_in_dim3A : f32 to vector<16xf32>
      %mul3A_60 = arith.constant 16 : i32
      %mul3A_61 = arith.muli %scan3A_57, %mul3A_60 : i32
      %swap3A = arith.index_cast %mul3A_61 : i32 to index
      %swap3A_62 = tpu.vector_load %arg10[%swap3A] {strides = array<i32>} : memref<640xf32, #tpu.memory_space<vmem>>, vector<16xf32>,
      tpu.vector_store %arg10[%swap3A], %broadcast_in_dim3A_59 {strides = array<i32>} : memref<640xf32, #tpu.memory_space<vmem>>, vector<16xf32>,
      %scan3A_63 = arith.constant 0 : i32
      scf.yield %scan3A_63 : i32
    }
    %scan3A_45 = arith.constant 40 : i32
    %scan3A_46 = arith.constant 0 : i32
    %scan3A_47 = arith.constant 0 : i32
    %scan3A_48 = arith.constant 16 : i32
    %scan3A_49 = arith.addi %scan3A_47, %scan3A_48 : i32
    %scan3A_50 = arith.constant 1 : i32
    %scan3A_51 = scf.for %scan3A_57 = %scan3A_47 to %scan3A_49 step %scan3A_50 iter_args(%scan3A_58 = %scan3A_46) -> (i32)  : i32 {
      %mul3A_59 = arith.constant 640 : i32
      %mul3A_60 = arith.muli %arg1, %mul3A_59 : i32
      "tpu.region"() ({
        %run_scoped3A_69 = tpu.sem_alloc : memref<!tpu.dma_semaphore, #tpu.memory_space<semaphore_mem>>
        %dma_start3A = tpu.memref_slice %arg9[%scan3A_57, %mul3A_60] : memref<16x10240xf32, #tpu.memory_space<vmem_shared>> -> memref<1x640xf32, #tpu.memory_space<vmem_shared>>
        %dma_start3A_70 = tpu.memref_squeeze %dma_start3A : memref<1x640xf32, #tpu.memory_space<vmem_shared>> -> memref<640xf32, #tpu.memory_space<vmem_shared>>
        %dma_start3A_71 = tpu.memref_slice %arg9[%scan3A_57, %mul3A_60] : memref<16x10240xf32, #tpu.memory_space<vmem_shared>> -> memref<1x640xf32, #tpu.memory_space<vmem_shared>>
        %dma_start3A_72 = tpu.memref_squeeze %dma_start3A_71 : memref<1x640xf32, #tpu.memory_space<vmem_shared>> -> memref<640xf32, #tpu.memory_space<vmem_shared>>
        tpu.enqueue_dma source(%dma_start3A_72 : memref<640xf32, #tpu.memory_space<vmem_shared>>) target(%arg11 : memref<640xf32, #tpu.memory_space<vmem>>) target_semaphore(%run_scoped3A_69 : memref<!tpu.dma_semaphore, #tpu.memory_space<semaphore_mem>>)
        %dma_wait3A = tpu.memref_slice %arg9[%scan3A_57, %mul3A_60] : memref<16x10240xf32, #tpu.memory_space<vmem_shared>> -> memref<1x640xf32, #tpu.memory_space<vmem_shared>>
        %dma_wait3A_73 = tpu.memref_squeeze %dma_wait3A : memref<1x640xf32, #tpu.memory_space<vmem_shared>> -> memref<640xf32, #tpu.memory_space<vmem_shared>>
        %dma_wait3A_74 = tpu.memref_slice %arg9[%scan3A_57, %mul3A_60] : memref<16x10240xf32, #tpu.memory_space<vmem_shared>> -> memref<1x640xf32, #tpu.memory_space<vmem_shared>>
        %dma_wait3A_75 = tpu.memref_squeeze %dma_wait3A_74 : memref<1x640xf32, #tpu.memory_space<vmem_shared>> -> memref<640xf32, #tpu.memory_space<vmem_shared>>
        tpu.wait_dma2 semaphore(%run_scoped3A_69 : memref<!tpu.dma_semaphore, #tpu.memory_space<semaphore_mem>>) src(%dma_wait3A_75 : memref<640xf32, #tpu.memory_space<vmem_shared>>) dst(%arg11 : memref<640xf32, #tpu.memory_space<vmem>>)
        tpu.yield
      }) : () -> ()
      %scan3A_61 = arith.constant 0 : i32
      %scan3A_62 = arith.constant 0 : i32
      %scan3A_63 = arith.constant 40 : i32
      %scan3A_64 = arith.addi %scan3A_62, %scan3A_63 : i32
      %scan3A_65 = arith.constant 1 : i32
      %scan3A_66 = scf.for %scan3A_69 = %scan3A_62 to %scan3A_64 step %scan3A_65 iter_args(%scan3A_70 = %scan3A_61) -> (i32)  : i32 {
        %mul3A_71 = arith.constant 16 : i32
        %mul3A_72 = arith.muli %scan3A_69, %mul3A_71 : i32
        %get3A = arith.index_cast %mul3A_72 : i32 to index
        %get3A_73 = tpu.vector_load %arg10[%get3A] {strides = array<i32>} : memref<640xf32, #tpu.memory_space<vmem>>, vector<16xf32>,
        %mul3A_74 = arith.constant 16 : i32
        %mul3A_75 = arith.muli %scan3A_69, %mul3A_74 : i32
        %get3A_76 = arith.index_cast %mul3A_75 : i32 to index
        %get3A_77 = tpu.vector_load %arg11[%get3A_76] {strides = array<i32>} : memref<640xf32, #tpu.memory_space<vmem>>, vector<16xf32>,
        %add3A_78 = arith.addf %get3A_73, %get3A_77 : vector<16xf32>
        %mul3A_79 = arith.constant 16 : i32
        %mul3A_80 = arith.muli %scan3A_69, %mul3A_79 : i32
        %swap3A = arith.index_cast %mul3A_80 : i32 to index
        %swap3A_81 = tpu.vector_load %arg10[%swap3A] {strides = array<i32>} : memref<640xf32, #tpu.memory_space<vmem>>, vector<16xf32>,
        tpu.vector_store %arg10[%swap3A], %add3A_78 {strides = array<i32>} : memref<640xf32, #tpu.memory_space<vmem>>, vector<16xf32>,
        %scan3A_82 = arith.constant 0 : i32
        scf.yield %scan3A_82 : i32
      }
      %scan3A_67 = arith.constant 40 : i32
      %scan3A_68 = arith.constant 0 : i32
      scf.yield %scan3A_68 : i32
    }
    %scan3A_52 = arith.constant 16 : i32
    %mul3A_53 = arith.constant 640 : i32
    %mul3A_54 = arith.muli %arg1, %mul3A_53 : i32
    %run_scoped3A_55 = arith.constant 1 : i32
    "tpu.region"() ({
      %run_scoped3A_57 = tpu.sem_alloc : memref<!tpu.dma_semaphore, #tpu.memory_space<semaphore_mem>>
      %dma_start3A = tpu.memref_slice %arg4[%arg0, %run_scoped3A_55, %mul3A_54] : memref<2x2x10240xf32, #tpu.memory_space<hbm>> -> memref<1x1x640xf32, #tpu.memory_space<hbm>>
      %dma_start3A_58 = tpu.memref_squeeze %dma_start3A : memref<1x1x640xf32, #tpu.memory_space<hbm>> -> memref<640xf32, #tpu.memory_space<hbm>>
      %dma_start3A_59 = tpu.memref_slice %arg4[%arg0, %run_scoped3A_55, %mul3A_54] : memref<2x2x10240xf32, #tpu.memory_space<hbm>> -> memref<1x1x640xf32, #tpu.memory_space<hbm>>
      %dma_start3A_60 = tpu.memref_squeeze %dma_start3A_59 : memref<1x1x640xf32, #tpu.memory_space<hbm>> -> memref<640xf32, #tpu.memory_space<hbm>>
      tpu.enqueue_dma source(%arg10 : memref<640xf32, #tpu.memory_space<vmem>>) target(%dma_start3A_60 : memref<640xf32, #tpu.memory_space<hbm>>) target_semaphore(%run_scoped3A_57 : memref<!tpu.dma_semaphore, #tpu.memory_space<semaphore_mem>>)
      %dma_wait3A = tpu.memref_slice %arg4[%arg0, %run_scoped3A_55, %mul3A_54] : memref<2x2x10240xf32, #tpu.memory_space<hbm>> -> memref<1x1x640xf32, #tpu.memory_space<hbm>>
      %dma_wait3A_61 = tpu.memref_squeeze %dma_wait3A : memref<1x1x640xf32, #tpu.memory_space<hbm>> -> memref<640xf32, #tpu.memory_space<hbm>>
      %dma_wait3A_62 = tpu.memref_slice %arg4[%arg0, %run_scoped3A_55, %mul3A_54] : memref<2x2x10240xf32, #tpu.memory_space<hbm>> -> memref<1x1x640xf32, #tpu.memory_space<hbm>>
      %dma_wait3A_63 = tpu.memref_squeeze %dma_wait3A_62 : memref<1x1x640xf32, #tpu.memory_space<hbm>> -> memref<640xf32, #tpu.memory_space<hbm>>
      tpu.wait_dma2 semaphore(%run_scoped3A_57 : memref<!tpu.dma_semaphore, #tpu.memory_space<semaphore_mem>>) src(%arg10 : memref<640xf32, #tpu.memory_space<vmem>>) dst(%dma_wait3A_63 : memref<640xf32, #tpu.memory_space<hbm>>)
      tpu.yield
    }) : () -> ()
    %barrier3A_56 = arith.constant 0 : index
    tpu.barrier barrier_id(%barrier3A_56)
    return
  }
}

#map = affine_map<(d0, d1) -> (0, 0, 0)>
#map1 = affine_map<(d0, d1) -> (0, 0)>
#map2 = affine_map<(d0, d1) -> (0)>
module attributes {stable_mosaic.version = 14 : i64} {
  func.func @_agg_body(%arg0: i32, %arg1: i32, %arg2: memref<32x79x128xi32, #tpu.memory_space<hbm>>, %arg3: memref<32x79x128xi32, #tpu.memory_space<hbm>>, %arg4: memref<10240x128xf32, #tpu.memory_space<hbm>>, %arg5: memref<10240xf32, #tpu.memory_space<hbm>>, %arg6: memref<2x10240x128xf32, #tpu.memory_space<hbm>>, %arg7: memref<2x10240xf32, #tpu.memory_space<hbm>>, %arg8: memref<79x128xi32, #tpu.memory_space<vmem>>, %arg9: memref<79x128xi32, #tpu.memory_space<vmem>>, %arg10: memref<128x128xf32, #tpu.memory_space<vmem>>, %arg11: memref<128xf32, #tpu.memory_space<vmem>>, %arg12: memref<16x128xf32, #tpu.memory_space<vmem>>, %arg13: memref<640xf32, #tpu.memory_space<vmem>>, %arg14: memref<10240x128xf32, #tpu.memory_space<vmem_shared>>, %arg15: memref<10240xf32, #tpu.memory_space<vmem_shared>>, %arg16: memref<!tpu.dma_semaphore, #tpu.memory_space<semaphore_mem>>) attributes {dimension_semantics = [#tpu.dimension_semantics<core_parallel>, #tpu.dimension_semantics<subcore_parallel>], iteration_bounds = array<i64: 2, 16>, scalar_prefetch = 0 : i64, scratch_operands = 9 : i64, tpu.core_type = #tpu.core_type<sc_vector_subcore>, window_params = [{transform_indices = #map}, {transform_indices = #map}, {transform_indices = #map1}, {transform_indices = #map2}, {transform_indices = #map}, {transform_indices = #map1}]} {
    %mul3A = arith.constant 16 : i32
    %mul3A_0 = arith.muli %arg0, %mul3A : i32
    %add3A = arith.addi %mul3A_0, %arg1 : i32
    "tpu.region"() ({
      %run_scoped3A = tpu.sem_alloc : memref<!tpu.dma_semaphore, #tpu.memory_space<semaphore_mem>>
      %dma_start3A = arith.constant 0 : i32
      %dma_start3A_39 = arith.constant 0 : i32
      %dma_start3A_40 = tpu.memref_slice %arg2[%add3A, %dma_start3A, %dma_start3A_39] : memref<32x79x128xi32, #tpu.memory_space<hbm>> -> memref<1x79x128xi32, #tpu.memory_space<hbm>>
      %dma_start3A_41 = tpu.memref_squeeze %dma_start3A_40 : memref<1x79x128xi32, #tpu.memory_space<hbm>> -> memref<79x128xi32, #tpu.memory_space<hbm>>
      %dma_start3A_42 = arith.constant 0 : i32
      %dma_start3A_43 = arith.constant 0 : i32
      %dma_start3A_44 = tpu.memref_slice %arg2[%add3A, %dma_start3A_42, %dma_start3A_43] : memref<32x79x128xi32, #tpu.memory_space<hbm>> -> memref<1x79x128xi32, #tpu.memory_space<hbm>>
      %dma_start3A_45 = tpu.memref_squeeze %dma_start3A_44 : memref<1x79x128xi32, #tpu.memory_space<hbm>> -> memref<79x128xi32, #tpu.memory_space<hbm>>
      tpu.enqueue_dma source(%dma_start3A_45 : memref<79x128xi32, #tpu.memory_space<hbm>>) target(%arg8 : memref<79x128xi32, #tpu.memory_space<vmem>>) target_semaphore(%run_scoped3A : memref<!tpu.dma_semaphore, #tpu.memory_space<semaphore_mem>>)
      %dma_wait3A = arith.constant 0 : i32
      %dma_wait3A_46 = arith.constant 0 : i32
      %dma_wait3A_47 = tpu.memref_slice %arg2[%add3A, %dma_wait3A, %dma_wait3A_46] : memref<32x79x128xi32, #tpu.memory_space<hbm>> -> memref<1x79x128xi32, #tpu.memory_space<hbm>>
      %dma_wait3A_48 = tpu.memref_squeeze %dma_wait3A_47 : memref<1x79x128xi32, #tpu.memory_space<hbm>> -> memref<79x128xi32, #tpu.memory_space<hbm>>
      %dma_wait3A_49 = arith.constant 0 : i32
      %dma_wait3A_50 = arith.constant 0 : i32
      %dma_wait3A_51 = tpu.memref_slice %arg2[%add3A, %dma_wait3A_49, %dma_wait3A_50] : memref<32x79x128xi32, #tpu.memory_space<hbm>> -> memref<1x79x128xi32, #tpu.memory_space<hbm>>
      %dma_wait3A_52 = tpu.memref_squeeze %dma_wait3A_51 : memref<1x79x128xi32, #tpu.memory_space<hbm>> -> memref<79x128xi32, #tpu.memory_space<hbm>>
      tpu.wait_dma2 semaphore(%run_scoped3A : memref<!tpu.dma_semaphore, #tpu.memory_space<semaphore_mem>>) src(%dma_wait3A_52 : memref<79x128xi32, #tpu.memory_space<hbm>>) dst(%arg8 : memref<79x128xi32, #tpu.memory_space<vmem>>)
      tpu.yield
    }) : () -> ()
    "tpu.region"() ({
      %run_scoped3A = tpu.sem_alloc : memref<!tpu.dma_semaphore, #tpu.memory_space<semaphore_mem>>
      %dma_start3A = arith.constant 0 : i32
      %dma_start3A_39 = arith.constant 0 : i32
      %dma_start3A_40 = tpu.memref_slice %arg3[%add3A, %dma_start3A, %dma_start3A_39] : memref<32x79x128xi32, #tpu.memory_space<hbm>> -> memref<1x79x128xi32, #tpu.memory_space<hbm>>
      %dma_start3A_41 = tpu.memref_squeeze %dma_start3A_40 : memref<1x79x128xi32, #tpu.memory_space<hbm>> -> memref<79x128xi32, #tpu.memory_space<hbm>>
      %dma_start3A_42 = arith.constant 0 : i32
      %dma_start3A_43 = arith.constant 0 : i32
      %dma_start3A_44 = tpu.memref_slice %arg3[%add3A, %dma_start3A_42, %dma_start3A_43] : memref<32x79x128xi32, #tpu.memory_space<hbm>> -> memref<1x79x128xi32, #tpu.memory_space<hbm>>
      %dma_start3A_45 = tpu.memref_squeeze %dma_start3A_44 : memref<1x79x128xi32, #tpu.memory_space<hbm>> -> memref<79x128xi32, #tpu.memory_space<hbm>>
      tpu.enqueue_dma source(%dma_start3A_45 : memref<79x128xi32, #tpu.memory_space<hbm>>) target(%arg9 : memref<79x128xi32, #tpu.memory_space<vmem>>) target_semaphore(%run_scoped3A : memref<!tpu.dma_semaphore, #tpu.memory_space<semaphore_mem>>)
      %dma_wait3A = arith.constant 0 : i32
      %dma_wait3A_46 = arith.constant 0 : i32
      %dma_wait3A_47 = tpu.memref_slice %arg3[%add3A, %dma_wait3A, %dma_wait3A_46] : memref<32x79x128xi32, #tpu.memory_space<hbm>> -> memref<1x79x128xi32, #tpu.memory_space<hbm>>
      %dma_wait3A_48 = tpu.memref_squeeze %dma_wait3A_47 : memref<1x79x128xi32, #tpu.memory_space<hbm>> -> memref<79x128xi32, #tpu.memory_space<hbm>>
      %dma_wait3A_49 = arith.constant 0 : i32
      %dma_wait3A_50 = arith.constant 0 : i32
      %dma_wait3A_51 = tpu.memref_slice %arg3[%add3A, %dma_wait3A_49, %dma_wait3A_50] : memref<32x79x128xi32, #tpu.memory_space<hbm>> -> memref<1x79x128xi32, #tpu.memory_space<hbm>>
      %dma_wait3A_52 = tpu.memref_squeeze %dma_wait3A_51 : memref<1x79x128xi32, #tpu.memory_space<hbm>> -> memref<79x128xi32, #tpu.memory_space<hbm>>
      tpu.wait_dma2 semaphore(%run_scoped3A : memref<!tpu.dma_semaphore, #tpu.memory_space<semaphore_mem>>) src(%dma_wait3A_52 : memref<79x128xi32, #tpu.memory_space<hbm>>) dst(%arg9 : memref<79x128xi32, #tpu.memory_space<vmem>>)
      tpu.yield
    }) : () -> ()
    %scan3A = arith.constant 0 : i32
    %scan3A_1 = arith.constant 0 : i32
    %scan3A_2 = arith.constant 16 : i32
    %scan3A_3 = arith.addi %scan3A_1, %scan3A_2 : i32
    %scan3A_4 = arith.constant 1 : i32
    %scan3A_5 = scf.for %scan3A_39 = %scan3A_1 to %scan3A_3 step %scan3A_4 iter_args(%scan3A_40 = %scan3A) -> (i32)  : i32 {
      %broadcast_in_dim3A = arith.constant 0.000000e+00 : f32
      %broadcast_in_dim3A_41 = vector.broadcast %broadcast_in_dim3A : f32 to vector<16xf32>
      %swap3A = arith.index_cast %scan3A_39 : i32 to index
      %swap3A_42 = arith.constant 0 : index
      %swap3A_43 = tpu.vector_load %arg12[%swap3A, %swap3A_42] {strides = array<i32>} : memref<16x128xf32, #tpu.memory_space<vmem>>, vector<16xf32>,
      tpu.vector_store %arg12[%swap3A, %swap3A_42], %broadcast_in_dim3A_41 {strides = array<i32>} : memref<16x128xf32, #tpu.memory_space<vmem>>, vector<16xf32>,
      %broadcast_in_dim3A_44 = arith.constant 0.000000e+00 : f32
      %broadcast_in_dim3A_45 = vector.broadcast %broadcast_in_dim3A_44 : f32 to vector<16xf32>
      %swap3A_46 = arith.index_cast %scan3A_39 : i32 to index
      %swap3A_47 = arith.constant 16 : index
      %swap3A_48 = tpu.vector_load %arg12[%swap3A_46, %swap3A_47] {strides = array<i32>} : memref<16x128xf32, #tpu.memory_space<vmem>>, vector<16xf32>,
      tpu.vector_store %arg12[%swap3A_46, %swap3A_47], %broadcast_in_dim3A_45 {strides = array<i32>} : memref<16x128xf32, #tpu.memory_space<vmem>>, vector<16xf32>,
      %broadcast_in_dim3A_49 = arith.constant 0.000000e+00 : f32
      %broadcast_in_dim3A_50 = vector.broadcast %broadcast_in_dim3A_49 : f32 to vector<16xf32>
      %swap3A_51 = arith.index_cast %scan3A_39 : i32 to index
      %swap3A_52 = arith.constant 32 : index
      %swap3A_53 = tpu.vector_load %arg12[%swap3A_51, %swap3A_52] {strides = array<i32>} : memref<16x128xf32, #tpu.memory_space<vmem>>, vector<16xf32>,
      tpu.vector_store %arg12[%swap3A_51, %swap3A_52], %broadcast_in_dim3A_50 {strides = array<i32>} : memref<16x128xf32, #tpu.memory_space<vmem>>, vector<16xf32>,
      %broadcast_in_dim3A_54 = arith.constant 0.000000e+00 : f32
      %broadcast_in_dim3A_55 = vector.broadcast %broadcast_in_dim3A_54 : f32 to vector<16xf32>
      %swap3A_56 = arith.index_cast %scan3A_39 : i32 to index
      %swap3A_57 = arith.constant 48 : index
      %swap3A_58 = tpu.vector_load %arg12[%swap3A_56, %swap3A_57] {strides = array<i32>} : memref<16x128xf32, #tpu.memory_space<vmem>>, vector<16xf32>,
      tpu.vector_store %arg12[%swap3A_56, %swap3A_57], %broadcast_in_dim3A_55 {strides = array<i32>} : memref<16x128xf32, #tpu.memory_space<vmem>>, vector<16xf32>,
      %broadcast_in_dim3A_59 = arith.constant 0.000000e+00 : f32
      %broadcast_in_dim3A_60 = vector.broadcast %broadcast_in_dim3A_59 : f32 to vector<16xf32>
      %swap3A_61 = arith.index_cast %scan3A_39 : i32 to index
      %swap3A_62 = arith.constant 64 : index
      %swap3A_63 = tpu.vector_load %arg12[%swap3A_61, %swap3A_62] {strides = array<i32>} : memref<16x128xf32, #tpu.memory_space<vmem>>, vector<16xf32>,
      tpu.vector_store %arg12[%swap3A_61, %swap3A_62], %broadcast_in_dim3A_60 {strides = array<i32>} : memref<16x128xf32, #tpu.memory_space<vmem>>, vector<16xf32>,
      %broadcast_in_dim3A_64 = arith.constant 0.000000e+00 : f32
      %broadcast_in_dim3A_65 = vector.broadcast %broadcast_in_dim3A_64 : f32 to vector<16xf32>
      %swap3A_66 = arith.index_cast %scan3A_39 : i32 to index
      %swap3A_67 = arith.constant 80 : index
      %swap3A_68 = tpu.vector_load %arg12[%swap3A_66, %swap3A_67] {strides = array<i32>} : memref<16x128xf32, #tpu.memory_space<vmem>>, vector<16xf32>,
      tpu.vector_store %arg12[%swap3A_66, %swap3A_67], %broadcast_in_dim3A_65 {strides = array<i32>} : memref<16x128xf32, #tpu.memory_space<vmem>>, vector<16xf32>,
      %broadcast_in_dim3A_69 = arith.constant 0.000000e+00 : f32
      %broadcast_in_dim3A_70 = vector.broadcast %broadcast_in_dim3A_69 : f32 to vector<16xf32>
      %swap3A_71 = arith.index_cast %scan3A_39 : i32 to index
      %swap3A_72 = arith.constant 96 : index
      %swap3A_73 = tpu.vector_load %arg12[%swap3A_71, %swap3A_72] {strides = array<i32>} : memref<16x128xf32, #tpu.memory_space<vmem>>, vector<16xf32>,
      tpu.vector_store %arg12[%swap3A_71, %swap3A_72], %broadcast_in_dim3A_70 {strides = array<i32>} : memref<16x128xf32, #tpu.memory_space<vmem>>, vector<16xf32>,
      %broadcast_in_dim3A_74 = arith.constant 0.000000e+00 : f32
      %broadcast_in_dim3A_75 = vector.broadcast %broadcast_in_dim3A_74 : f32 to vector<16xf32>
      %swap3A_76 = arith.index_cast %scan3A_39 : i32 to index
      %swap3A_77 = arith.constant 112 : index
      %swap3A_78 = tpu.vector_load %arg12[%swap3A_76, %swap3A_77] {strides = array<i32>} : memref<16x128xf32, #tpu.memory_space<vmem>>, vector<16xf32>,
      tpu.vector_store %arg12[%swap3A_76, %swap3A_77], %broadcast_in_dim3A_75 {strides = array<i32>} : memref<16x128xf32, #tpu.memory_space<vmem>>, vector<16xf32>,
      %scan3A_79 = arith.constant 0 : i32
      scf.yield %scan3A_79 : i32
    }
    %scan3A_6 = arith.constant 16 : i32
    %scan3A_7 = arith.constant 0 : i32
    %scan3A_8 = arith.constant 0 : i32
    %scan3A_9 = arith.constant 40 : i32
    %scan3A_10 = arith.addi %scan3A_8, %scan3A_9 : i32
    %scan3A_11 = arith.constant 1 : i32
    %scan3A_12 = scf.for %scan3A_39 = %scan3A_8 to %scan3A_10 step %scan3A_11 iter_args(%scan3A_40 = %scan3A_7) -> (i32)  : i32 {
      %broadcast_in_dim3A = arith.constant 0.000000e+00 : f32
      %broadcast_in_dim3A_41 = vector.broadcast %broadcast_in_dim3A : f32 to vector<16xf32>
      %mul3A_42 = arith.constant 16 : i32
      %mul3A_43 = arith.muli %scan3A_39, %mul3A_42 : i32
      %swap3A = arith.index_cast %mul3A_43 : i32 to index
      %swap3A_44 = tpu.vector_load %arg13[%swap3A] {strides = array<i32>} : memref<640xf32, #tpu.memory_space<vmem>>, vector<16xf32>,
      tpu.vector_store %arg13[%swap3A], %broadcast_in_dim3A_41 {strides = array<i32>} : memref<640xf32, #tpu.memory_space<vmem>>, vector<16xf32>,
      %scan3A_45 = arith.constant 0 : i32
      scf.yield %scan3A_45 : i32
    }
    %scan3A_13 = arith.constant 40 : i32
    %scan3A_14 = arith.constant 0 : i32
    %scan3A_15 = arith.constant 0 : i32
    %scan3A_16 = arith.constant 40 : i32
    %scan3A_17 = arith.addi %scan3A_15, %scan3A_16 : i32
    %scan3A_18 = arith.constant 1 : i32
    %scan3A_19 = scf.for %scan3A_39 = %scan3A_15 to %scan3A_17 step %scan3A_18 iter_args(%scan3A_40 = %scan3A_14) -> (i32)  : i32 {
      %mul3A_41 = arith.constant 640 : i32
      %mul3A_42 = arith.muli %arg1, %mul3A_41 : i32
      %mul3A_43 = arith.constant 16 : i32
      %mul3A_44 = arith.muli %scan3A_39, %mul3A_43 : i32
      %add3A_45 = arith.addi %mul3A_42, %mul3A_44 : i32
      "tpu.region"() ({
        %run_scoped3A = tpu.sem_alloc : memref<!tpu.dma_semaphore, #tpu.memory_space<semaphore_mem>>
        %dma_start3A = arith.constant 0 : i32
        %dma_start3A_47 = tpu.memref_slice %arg14[%add3A_45, %dma_start3A] : memref<10240x128xf32, #tpu.memory_space<vmem_shared>> -> memref<16x128xf32, #tpu.memory_space<vmem_shared>>
        %dma_start3A_48 = arith.constant 0 : i32
        %dma_start3A_49 = tpu.memref_slice %arg14[%add3A_45, %dma_start3A_48] : memref<10240x128xf32, #tpu.memory_space<vmem_shared>> -> memref<16x128xf32, #tpu.memory_space<vmem_shared>>
        tpu.enqueue_dma source(%arg12 : memref<16x128xf32, #tpu.memory_space<vmem>>) target(%dma_start3A_49 : memref<16x128xf32, #tpu.memory_space<vmem_shared>>) target_semaphore(%run_scoped3A : memref<!tpu.dma_semaphore, #tpu.memory_space<semaphore_mem>>)
        %dma_wait3A = arith.constant 0 : i32
        %dma_wait3A_50 = tpu.memref_slice %arg14[%add3A_45, %dma_wait3A] : memref<10240x128xf32, #tpu.memory_space<vmem_shared>> -> memref<16x128xf32, #tpu.memory_space<vmem_shared>>
        %dma_wait3A_51 = arith.constant 0 : i32
        %dma_wait3A_52 = tpu.memref_slice %arg14[%add3A_45, %dma_wait3A_51] : memref<10240x128xf32, #tpu.memory_space<vmem_shared>> -> memref<16x128xf32, #tpu.memory_space<vmem_shared>>
        tpu.wait_dma2 semaphore(%run_scoped3A : memref<!tpu.dma_semaphore, #tpu.memory_space<semaphore_mem>>) src(%arg12 : memref<16x128xf32, #tpu.memory_space<vmem>>) dst(%dma_wait3A_52 : memref<16x128xf32, #tpu.memory_space<vmem_shared>>)
        tpu.yield
      }) : () -> ()
      %scan3A_46 = arith.constant 0 : i32
      scf.yield %scan3A_46 : i32
    }
    %scan3A_20 = arith.constant 40 : i32
    %mul3A_21 = arith.constant 640 : i32
    %mul3A_22 = arith.muli %arg1, %mul3A_21 : i32
    "tpu.region"() ({
      %run_scoped3A = tpu.sem_alloc : memref<!tpu.dma_semaphore, #tpu.memory_space<semaphore_mem>>
      %dma_start3A = tpu.memref_slice %arg15[%mul3A_22] : memref<10240xf32, #tpu.memory_space<vmem_shared>> -> memref<640xf32, #tpu.memory_space<vmem_shared>>
      %dma_start3A_39 = tpu.memref_slice %arg15[%mul3A_22] : memref<10240xf32, #tpu.memory_space<vmem_shared>> -> memref<640xf32, #tpu.memory_space<vmem_shared>>
      tpu.enqueue_dma source(%arg13 : memref<640xf32, #tpu.memory_space<vmem>>) target(%dma_start3A_39 : memref<640xf32, #tpu.memory_space<vmem_shared>>) target_semaphore(%run_scoped3A : memref<!tpu.dma_semaphore, #tpu.memory_space<semaphore_mem>>)
      %dma_wait3A = tpu.memref_slice %arg15[%mul3A_22] : memref<10240xf32, #tpu.memory_space<vmem_shared>> -> memref<640xf32, #tpu.memory_space<vmem_shared>>
      %dma_wait3A_40 = tpu.memref_slice %arg15[%mul3A_22] : memref<10240xf32, #tpu.memory_space<vmem_shared>> -> memref<640xf32, #tpu.memory_space<vmem_shared>>
      tpu.wait_dma2 semaphore(%run_scoped3A : memref<!tpu.dma_semaphore, #tpu.memory_space<semaphore_mem>>) src(%arg13 : memref<640xf32, #tpu.memory_space<vmem>>) dst(%dma_wait3A_40 : memref<640xf32, #tpu.memory_space<vmem_shared>>)
      tpu.yield
    }) : () -> ()
    %barrier3A = arith.constant 0 : index
    tpu.barrier barrier_id(%barrier3A)
    %scan3A_23 = arith.constant 0 : i32
    %scan3A_24 = arith.constant 0 : i32
    %scan3A_25 = arith.constant 79 : i32
    %scan3A_26 = arith.addi %scan3A_24, %scan3A_25 : i32
    %scan3A_27 = arith.constant 1 : i32
    %scan3A_28 = scf.for %scan3A_39 = %scan3A_24 to %scan3A_26 step %scan3A_27 iter_args(%scan3A_40 = %scan3A_23) -> (i32)  : i32 {
      %dma_start3A = arith.constant 0 : i32
      %dma_start3A_41 = tpu.memref_slice %arg8[%scan3A_39, %dma_start3A] : memref<79x128xi32, #tpu.memory_space<vmem>> -> memref<1x128xi32, #tpu.memory_space<vmem>>
      %dma_start3A_42 = tpu.memref_squeeze %dma_start3A_41 : memref<1x128xi32, #tpu.memory_space<vmem>> -> memref<128xi32, #tpu.memory_space<vmem>>
      %dma_start3A_43 = arith.constant 0 : i32
      %dma_start3A_44 = arith.constant 0 : i32
      %dma_start3A_45 = tpu.memref_slice %arg4[%dma_start3A_43, %dma_start3A_44] : memref<10240x128xf32, #tpu.memory_space<hbm>> -> memref<10240x128xf32, #tpu.memory_space<hbm>>
      tpu.enqueue_indirect_dma source(%dma_start3A_45 : memref<10240x128xf32, #tpu.memory_space<hbm>>) target(%arg10 : memref<128x128xf32, #tpu.memory_space<vmem>>) offsets(%dma_start3A_42 : memref<128xi32, #tpu.memory_space<vmem>>) semaphore(%arg16 : memref<!tpu.dma_semaphore, #tpu.memory_space<semaphore_mem>>)
      %dma_wait3A = arith.constant 0 : i32
      %dma_wait3A_46 = tpu.memref_slice %arg8[%scan3A_39, %dma_wait3A] : memref<79x128xi32, #tpu.memory_space<vmem>> -> memref<1x128xi32, #tpu.memory_space<vmem>>
      %dma_wait3A_47 = tpu.memref_squeeze %dma_wait3A_46 : memref<1x128xi32, #tpu.memory_space<vmem>> -> memref<128xi32, #tpu.memory_space<vmem>>
      %dma_wait3A_48 = arith.constant 0 : i32
      %dma_wait3A_49 = arith.constant 0 : i32
      %dma_wait3A_50 = tpu.memref_slice %arg4[%dma_wait3A_48, %dma_wait3A_49] : memref<10240x128xf32, #tpu.memory_space<hbm>> -> memref<10240x128xf32, #tpu.memory_space<hbm>>
      tpu.wait_indirect_dma semaphore(%arg16 : memref<!tpu.dma_semaphore, #tpu.memory_space<semaphore_mem>>) src(%dma_wait3A_50 : memref<10240x128xf32, #tpu.memory_space<hbm>>) dst(%arg10 : memref<128x128xf32, #tpu.memory_space<vmem>>)
      "tpu.region"() ({
        %run_scoped3A = tpu.sem_alloc : memref<!tpu.dma_semaphore, #tpu.memory_space<semaphore_mem>>
        %dma_start3A_62 = arith.constant 0 : i32
        %dma_start3A_63 = tpu.memref_slice %arg9[%scan3A_39, %dma_start3A_62] : memref<79x128xi32, #tpu.memory_space<vmem>> -> memref<1x128xi32, #tpu.memory_space<vmem>>
        %dma_start3A_64 = tpu.memref_squeeze %dma_start3A_63 : memref<1x128xi32, #tpu.memory_space<vmem>> -> memref<128xi32, #tpu.memory_space<vmem>>
        %dma_start3A_65 = arith.constant 0 : i32
        %dma_start3A_66 = arith.constant 0 : i32
        %dma_start3A_67 = tpu.memref_slice %arg14[%dma_start3A_65, %dma_start3A_66] : memref<10240x128xf32, #tpu.memory_space<vmem_shared>> -> memref<10240x128xf32, #tpu.memory_space<vmem_shared>>
        tpu.enqueue_indirect_dma source(%arg10 : memref<128x128xf32, #tpu.memory_space<vmem>>) target(%dma_start3A_67 : memref<10240x128xf32, #tpu.memory_space<vmem_shared>>) offsets(%dma_start3A_64 : memref<128xi32, #tpu.memory_space<vmem>>) semaphore(%run_scoped3A : memref<!tpu.dma_semaphore, #tpu.memory_space<semaphore_mem>>) {add = true}
        %dma_wait3A_68 = arith.constant 0 : i32
        %dma_wait3A_69 = tpu.memref_slice %arg9[%scan3A_39, %dma_wait3A_68] : memref<79x128xi32, #tpu.memory_space<vmem>> -> memref<1x128xi32, #tpu.memory_space<vmem>>
        %dma_wait3A_70 = tpu.memref_squeeze %dma_wait3A_69 : memref<1x128xi32, #tpu.memory_space<vmem>> -> memref<128xi32, #tpu.memory_space<vmem>>
        %dma_wait3A_71 = arith.constant 0 : i32
        %dma_wait3A_72 = arith.constant 0 : i32
        %dma_wait3A_73 = tpu.memref_slice %arg14[%dma_wait3A_71, %dma_wait3A_72] : memref<10240x128xf32, #tpu.memory_space<vmem_shared>> -> memref<10240x128xf32, #tpu.memory_space<vmem_shared>>
        tpu.wait_indirect_dma semaphore(%run_scoped3A : memref<!tpu.dma_semaphore, #tpu.memory_space<semaphore_mem>>) src(%arg10 : memref<128x128xf32, #tpu.memory_space<vmem>>) dst(%dma_wait3A_73 : memref<10240x128xf32, #tpu.memory_space<vmem_shared>>)
        tpu.yield
      }) : () -> ()
      %dma_start3A_51 = arith.constant 0 : i32
      %dma_start3A_52 = tpu.memref_slice %arg9[%scan3A_39, %dma_start3A_51] : memref<79x128xi32, #tpu.memory_space<vmem>> -> memref<1x128xi32, #tpu.memory_space<vmem>>
      %dma_start3A_53 = tpu.memref_squeeze %dma_start3A_52 : memref<1x128xi32, #tpu.memory_space<vmem>> -> memref<128xi32, #tpu.memory_space<vmem>>
      %dma_start3A_54 = arith.constant 0 : i32
      %dma_start3A_55 = tpu.memref_slice %arg5[%dma_start3A_54] : memref<10240xf32, #tpu.memory_space<hbm>> -> memref<10240xf32, #tpu.memory_space<hbm>>
      tpu.enqueue_indirect_dma source(%dma_start3A_55 : memref<10240xf32, #tpu.memory_space<hbm>>) target(%arg11 : memref<128xf32, #tpu.memory_space<vmem>>) offsets(%dma_start3A_53 : memref<128xi32, #tpu.memory_space<vmem>>) semaphore(%arg16 : memref<!tpu.dma_semaphore, #tpu.memory_space<semaphore_mem>>)
      %dma_wait3A_56 = arith.constant 0 : i32
      %dma_wait3A_57 = tpu.memref_slice %arg9[%scan3A_39, %dma_wait3A_56] : memref<79x128xi32, #tpu.memory_space<vmem>> -> memref<1x128xi32, #tpu.memory_space<vmem>>
      %dma_wait3A_58 = tpu.memref_squeeze %dma_wait3A_57 : memref<1x128xi32, #tpu.memory_space<vmem>> -> memref<128xi32, #tpu.memory_space<vmem>>
      %dma_wait3A_59 = arith.constant 0 : i32
      %dma_wait3A_60 = tpu.memref_slice %arg5[%dma_wait3A_59] : memref<10240xf32, #tpu.memory_space<hbm>> -> memref<10240xf32, #tpu.memory_space<hbm>>
      tpu.wait_indirect_dma semaphore(%arg16 : memref<!tpu.dma_semaphore, #tpu.memory_space<semaphore_mem>>) src(%dma_wait3A_60 : memref<10240xf32, #tpu.memory_space<hbm>>) dst(%arg11 : memref<128xf32, #tpu.memory_space<vmem>>)
      "tpu.region"() ({
        %run_scoped3A = tpu.sem_alloc : memref<!tpu.dma_semaphore, #tpu.memory_space<semaphore_mem>>
        %dma_start3A_62 = arith.constant 0 : i32
        %dma_start3A_63 = tpu.memref_slice %arg8[%scan3A_39, %dma_start3A_62] : memref<79x128xi32, #tpu.memory_space<vmem>> -> memref<1x128xi32, #tpu.memory_space<vmem>>
        %dma_start3A_64 = tpu.memref_squeeze %dma_start3A_63 : memref<1x128xi32, #tpu.memory_space<vmem>> -> memref<128xi32, #tpu.memory_space<vmem>>
        %dma_start3A_65 = arith.constant 0 : i32
        %dma_start3A_66 = tpu.memref_slice %arg15[%dma_start3A_65] : memref<10240xf32, #tpu.memory_space<vmem_shared>> -> memref<10240xf32, #tpu.memory_space<vmem_shared>>
        tpu.enqueue_indirect_dma source(%arg11 : memref<128xf32, #tpu.memory_space<vmem>>) target(%dma_start3A_66 : memref<10240xf32, #tpu.memory_space<vmem_shared>>) offsets(%dma_start3A_64 : memref<128xi32, #tpu.memory_space<vmem>>) semaphore(%run_scoped3A : memref<!tpu.dma_semaphore, #tpu.memory_space<semaphore_mem>>) {add = true}
        %dma_wait3A_67 = arith.constant 0 : i32
        %dma_wait3A_68 = tpu.memref_slice %arg8[%scan3A_39, %dma_wait3A_67] : memref<79x128xi32, #tpu.memory_space<vmem>> -> memref<1x128xi32, #tpu.memory_space<vmem>>
        %dma_wait3A_69 = tpu.memref_squeeze %dma_wait3A_68 : memref<1x128xi32, #tpu.memory_space<vmem>> -> memref<128xi32, #tpu.memory_space<vmem>>
        %dma_wait3A_70 = arith.constant 0 : i32
        %dma_wait3A_71 = tpu.memref_slice %arg15[%dma_wait3A_70] : memref<10240xf32, #tpu.memory_space<vmem_shared>> -> memref<10240xf32, #tpu.memory_space<vmem_shared>>
        tpu.wait_indirect_dma semaphore(%run_scoped3A : memref<!tpu.dma_semaphore, #tpu.memory_space<semaphore_mem>>) src(%arg11 : memref<128xf32, #tpu.memory_space<vmem>>) dst(%dma_wait3A_71 : memref<10240xf32, #tpu.memory_space<vmem_shared>>)
        tpu.yield
      }) : () -> ()
      %scan3A_61 = arith.constant 0 : i32
      scf.yield %scan3A_61 : i32
    }
    %scan3A_29 = arith.constant 79 : i32
    %barrier3A_30 = arith.constant 0 : index
    tpu.barrier barrier_id(%barrier3A_30)
    %mul3A_31 = arith.constant 640 : i32
    %mul3A_32 = arith.muli %arg1, %mul3A_31 : i32
    %mul3A_33 = arith.constant 640 : i32
    %mul3A_34 = arith.muli %arg1, %mul3A_33 : i32
    "tpu.region"() ({
      %run_scoped3A = tpu.sem_alloc : memref<!tpu.dma_semaphore, #tpu.memory_space<semaphore_mem>>
      %dma_start3A = arith.constant 0 : i32
      %dma_start3A_39 = tpu.memref_slice %arg6[%arg0, %mul3A_34, %dma_start3A] : memref<2x10240x128xf32, #tpu.memory_space<hbm>> -> memref<1x640x128xf32, #tpu.memory_space<hbm>>
      %dma_start3A_40 = tpu.memref_squeeze %dma_start3A_39 : memref<1x640x128xf32, #tpu.memory_space<hbm>> -> memref<640x128xf32, #tpu.memory_space<hbm>>
      %dma_start3A_41 = arith.constant 0 : i32
      %dma_start3A_42 = tpu.memref_slice %arg14[%mul3A_32, %dma_start3A_41] : memref<10240x128xf32, #tpu.memory_space<vmem_shared>> -> memref<640x128xf32, #tpu.memory_space<vmem_shared>>
      tpu.enqueue_dma source(%dma_start3A_42 : memref<640x128xf32, #tpu.memory_space<vmem_shared>>) target(%dma_start3A_40 : memref<640x128xf32, #tpu.memory_space<hbm>>) target_semaphore(%run_scoped3A : memref<!tpu.dma_semaphore, #tpu.memory_space<semaphore_mem>>)
      %dma_wait3A = arith.constant 0 : i32
      %dma_wait3A_43 = tpu.memref_slice %arg6[%arg0, %mul3A_34, %dma_wait3A] : memref<2x10240x128xf32, #tpu.memory_space<hbm>> -> memref<1x640x128xf32, #tpu.memory_space<hbm>>
      %dma_wait3A_44 = tpu.memref_squeeze %dma_wait3A_43 : memref<1x640x128xf32, #tpu.memory_space<hbm>> -> memref<640x128xf32, #tpu.memory_space<hbm>>
      %dma_wait3A_45 = arith.constant 0 : i32
      %dma_wait3A_46 = tpu.memref_slice %arg14[%mul3A_32, %dma_wait3A_45] : memref<10240x128xf32, #tpu.memory_space<vmem_shared>> -> memref<640x128xf32, #tpu.memory_space<vmem_shared>>
      tpu.wait_dma2 semaphore(%run_scoped3A : memref<!tpu.dma_semaphore, #tpu.memory_space<semaphore_mem>>) src(%dma_wait3A_46 : memref<640x128xf32, #tpu.memory_space<vmem_shared>>) dst(%dma_wait3A_44 : memref<640x128xf32, #tpu.memory_space<hbm>>)
      tpu.yield
    }) : () -> ()
    %mul3A_35 = arith.constant 640 : i32
    %mul3A_36 = arith.muli %arg1, %mul3A_35 : i32
    %mul3A_37 = arith.constant 640 : i32
    %mul3A_38 = arith.muli %arg1, %mul3A_37 : i32
    "tpu.region"() ({
      %run_scoped3A = tpu.sem_alloc : memref<!tpu.dma_semaphore, #tpu.memory_space<semaphore_mem>>
      %dma_start3A = tpu.memref_slice %arg7[%arg0, %mul3A_38] : memref<2x10240xf32, #tpu.memory_space<hbm>> -> memref<1x640xf32, #tpu.memory_space<hbm>>
      %dma_start3A_39 = tpu.memref_squeeze %dma_start3A : memref<1x640xf32, #tpu.memory_space<hbm>> -> memref<640xf32, #tpu.memory_space<hbm>>
      %dma_start3A_40 = tpu.memref_slice %arg15[%mul3A_36] : memref<10240xf32, #tpu.memory_space<vmem_shared>> -> memref<640xf32, #tpu.memory_space<vmem_shared>>
      tpu.enqueue_dma source(%dma_start3A_40 : memref<640xf32, #tpu.memory_space<vmem_shared>>) target(%dma_start3A_39 : memref<640xf32, #tpu.memory_space<hbm>>) target_semaphore(%run_scoped3A : memref<!tpu.dma_semaphore, #tpu.memory_space<semaphore_mem>>)
      %dma_wait3A = tpu.memref_slice %arg7[%arg0, %mul3A_38] : memref<2x10240xf32, #tpu.memory_space<hbm>> -> memref<1x640xf32, #tpu.memory_space<hbm>>
      %dma_wait3A_41 = tpu.memref_squeeze %dma_wait3A : memref<1x640xf32, #tpu.memory_space<hbm>> -> memref<640xf32, #tpu.memory_space<hbm>>
      %dma_wait3A_42 = tpu.memref_slice %arg15[%mul3A_36] : memref<10240xf32, #tpu.memory_space<vmem_shared>> -> memref<640xf32, #tpu.memory_space<vmem_shared>>
      tpu.wait_dma2 semaphore(%run_scoped3A : memref<!tpu.dma_semaphore, #tpu.memory_space<semaphore_mem>>) src(%dma_wait3A_42 : memref<640xf32, #tpu.memory_space<vmem_shared>>) dst(%dma_wait3A_41 : memref<640xf32, #tpu.memory_space<hbm>>)
      tpu.yield
    }) : () -> ()
    return
  }
}

module attributes {stable_mosaic.version = 14 : i64} {
  func.func @_k1_body(%arg0: memref<10240x4xf32, #tpu.memory_space<vmem>>, %arg1: memref<10240x128xf32, #tpu.memory_space<vmem>>, %arg2: memref<128x128xf32, #tpu.memory_space<vmem>>, %arg3: memref<10240x128xf32, #tpu.memory_space<vmem>>, %arg4: memref<10240x2xf32, #tpu.memory_space<vmem>>) attributes {dimension_semantics = [], scalar_prefetch = 0 : i64, scratch_operands = 0 : i64, tpu.core_type = #tpu.core_type<tc>} {
    %get3A = arith.constant 0 : index
    %get3A_0 = arith.constant 0 : index
    %get3A_1 = vector.load %arg0[%get3A, %get3A_0] : memref<10240x4xf32, #tpu.memory_space<vmem>>, vector<10240x4xf32>
    %slice3A = vector.extract_strided_slice %get3A_1 {offsets = [0, 0], sizes = [10240, 1], strides = [1, 1]} : vector<10240x4xf32> to vector<10240x1xf32>
    %slice3A_2 = vector.extract_strided_slice %get3A_1 {offsets = [0, 2], sizes = [10240, 1], strides = [1, 1]} : vector<10240x4xf32> to vector<10240x1xf32>
    %add3A = arith.addf %slice3A, %slice3A_2 : vector<10240x1xf32>
    %slice3A_3 = vector.extract_strided_slice %get3A_1 {offsets = [0, 1], sizes = [10240, 1], strides = [1, 1]} : vector<10240x4xf32> to vector<10240x1xf32>
    %slice3A_4 = vector.extract_strided_slice %get3A_1 {offsets = [0, 3], sizes = [10240, 1], strides = [1, 1]} : vector<10240x4xf32> to vector<10240x1xf32>
    %add3A_5 = arith.addf %slice3A_3, %slice3A_4 : vector<10240x1xf32>
    %gt3A = arith.constant 0.000000e+00 : f32
    %gt3A_6 = vector.broadcast %gt3A : f32 to vector<10240x1xf32>
    %gt3A_7 = arith.cmpf ogt, %add3A, %gt3A_6 : vector<10240x1xf32>
    %max3A = arith.constant 9.99999996E-13 : f32
    %max3A_8 = vector.broadcast %max3A : f32 to vector<10240x1xf32>
    %max3A_9 = arith.maximumf %add3A, %max3A_8 : vector<10240x1xf32>
    %rsqrt3A = math.rsqrt %max3A_9 : vector<10240x1xf32>
    %jit3A = arith.constant 0.000000e+00 : f32
    %broadcast_in_dim3A = vector.broadcast %jit3A : f32 to vector<10240x1xf32>
    %select_n3A = arith.select %gt3A_7, %rsqrt3A, %broadcast_in_dim3A : vector<10240x1xi1>, vector<10240x1xf32>
    %gt3A_10 = arith.constant 0.000000e+00 : f32
    %gt3A_11 = vector.broadcast %gt3A_10 : f32 to vector<10240x1xf32>
    %gt3A_12 = arith.cmpf ogt, %add3A_5, %gt3A_11 : vector<10240x1xf32>
    %max3A_13 = arith.constant 9.99999996E-13 : f32
    %max3A_14 = vector.broadcast %max3A_13 : f32 to vector<10240x1xf32>
    %max3A_15 = arith.maximumf %add3A_5, %max3A_14 : vector<10240x1xf32>
    %rsqrt3A_16 = math.rsqrt %max3A_15 : vector<10240x1xf32>
    %jit3A_17 = arith.constant 0.000000e+00 : f32
    %broadcast_in_dim3A_18 = vector.broadcast %jit3A_17 : f32 to vector<10240x1xf32>
    %select_n3A_19 = arith.select %gt3A_12, %rsqrt3A_16, %broadcast_in_dim3A_18 : vector<10240x1xi1>, vector<10240x1xf32>
    %concatenate3A = tpu.concatenate %select_n3A, %select_n3A_19 in 1 : vector<10240x1xf32>, vector<10240x1xf32> -> vector<10240x2xf32>
    %swap3A = arith.constant 0 : index
    %swap3A_20 = arith.constant 0 : index
    %swap3A_21 = vector.load %arg4[%swap3A, %swap3A_20] : memref<10240x2xf32, #tpu.memory_space<vmem>>, vector<10240x2xf32>
    tpu.vector_store %arg4[%swap3A, %swap3A_20], %concatenate3A {strides = array<i32>} : memref<10240x2xf32, #tpu.memory_space<vmem>>, vector<10240x2xf32>,
    %get3A_22 = arith.constant 0 : index
    %get3A_23 = arith.constant 0 : index
    %get3A_24 = vector.load %arg1[%get3A_22, %get3A_23] : memref<10240x128xf32, #tpu.memory_space<vmem>>, vector<10240x128xf32>
    %mul3A = vector.broadcast %select_n3A : vector<10240x1xf32> to vector<10240x128xf32>
    %mul3A_25 = arith.mulf %get3A_24, %mul3A : vector<10240x128xf32>
    %get3A_26 = arith.constant 0 : index
    %get3A_27 = arith.constant 0 : index
    %get3A_28 = vector.load %arg2[%get3A_26, %get3A_27] : memref<128x128xf32, #tpu.memory_space<vmem>>, vector<128x128xf32>
    %dot_general3A = arith.constant dense<0.000000e+00> : vector<10240x128xf32>
    %dot_general3A_29 = tpu.matmul %mul3A_25, %get3A_28, %dot_general3A {dimension_numbers = #tpu.dot_dimension_numbers<[1], [0], [0], [1], [0, 0, 1, 1], [], []>, transpose_lhs_hint = false} : vector<10240x128xf32>, vector<128x128xf32>, vector<10240x128xf32> -> vector<10240x128xf32>
    %swap3A_30 = arith.constant 0 : index
    %swap3A_31 = arith.constant 0 : index
    %swap3A_32 = vector.load %arg3[%swap3A_30, %swap3A_31] : memref<10240x128xf32, #tpu.memory_space<vmem>>, vector<10240x128xf32>
    tpu.vector_store %arg3[%swap3A_30, %swap3A_31], %dot_general3A_29 {strides = array<i32>} : memref<10240x128xf32, #tpu.memory_space<vmem>>, vector<10240x128xf32>,
    return
  }
}

module attributes {stable_mosaic.version = 14 : i64} {
  func.func @_k2_body(%arg0: memref<2x10240x128xf32, #tpu.memory_space<vmem>>, %arg1: memref<10240x2xf32, #tpu.memory_space<vmem>>, %arg2: memref<10240x2xf32, #tpu.memory_space<vmem>>, %arg3: memref<1x128xf32, #tpu.memory_space<vmem>>, %arg4: memref<128x128xf32, #tpu.memory_space<vmem>>, %arg5: memref<1x128xf32, #tpu.memory_space<vmem>>, %arg6: memref<128x2xf32, #tpu.memory_space<vmem>>, %arg7: memref<1x2xf32, #tpu.memory_space<vmem>>, %arg8: memref<1x2xf32, #tpu.memory_space<vmem>>) attributes {dimension_semantics = [], scalar_prefetch = 0 : i64, scratch_operands = 0 : i64, tpu.core_type = #tpu.core_type<tc>} {
    %get3A = arith.constant 0 : index
    %get3A_0 = arith.constant 0 : index
    %get3A_1 = arith.constant 0 : index
    %get3A_2 = vector.load %arg0[%get3A, %get3A_0, %get3A_1] : memref<2x10240x128xf32, #tpu.memory_space<vmem>>, vector<1x10240x128xf32>
    %get3A_3 = vector.shape_cast %get3A_2 : vector<1x10240x128xf32> to vector<10240x128xf32>
    %get3A_4 = arith.constant 1 : index
    %get3A_5 = arith.constant 0 : index
    %get3A_6 = arith.constant 0 : index
    %get3A_7 = vector.load %arg0[%get3A_4, %get3A_5, %get3A_6] : memref<2x10240x128xf32, #tpu.memory_space<vmem>>, vector<1x10240x128xf32>
    %get3A_8 = vector.shape_cast %get3A_7 : vector<1x10240x128xf32> to vector<10240x128xf32>
    %add3A = arith.addf %get3A_3, %get3A_8 : vector<10240x128xf32>
    %get3A_9 = arith.constant 0 : index
    %get3A_10 = arith.constant 0 : index
    %get3A_11 = vector.load %arg1[%get3A_9, %get3A_10] : memref<10240x2xf32, #tpu.memory_space<vmem>>, vector<10240x2xf32>
    %slice3A = vector.extract_strided_slice %get3A_11 {offsets = [0, 0], sizes = [10240, 1], strides = [1, 1]} : vector<10240x2xf32> to vector<10240x1xf32>
    %slice3A_12 = vector.extract_strided_slice %get3A_11 {offsets = [0, 1], sizes = [10240, 1], strides = [1, 1]} : vector<10240x2xf32> to vector<10240x1xf32>
    %add3A_13 = arith.addf %slice3A, %slice3A_12 : vector<10240x1xf32>
    %get3A_14 = arith.constant 0 : index
    %get3A_15 = arith.constant 0 : index
    %get3A_16 = vector.load %arg2[%get3A_14, %get3A_15] : memref<10240x2xf32, #tpu.memory_space<vmem>>, vector<10240x1xf32>
    %get3A_17 = arith.constant 0 : index
    %get3A_18 = arith.constant 1 : index
    %get3A_19 = vector.load %arg2[%get3A_17, %get3A_18] : memref<10240x2xf32, #tpu.memory_space<vmem>>, vector<10240x1xf32>
    %mul3A = vector.broadcast %get3A_19 : vector<10240x1xf32> to vector<10240x128xf32>
    %mul3A_20 = arith.mulf %add3A, %mul3A : vector<10240x128xf32>
    %get3A_21 = arith.constant 0 : index
    %get3A_22 = arith.constant 0 : index
    %get3A_23 = vector.load %arg3[%get3A_21, %get3A_22] : memref<1x128xf32, #tpu.memory_space<vmem>>, vector<1x128xf32>
    %add3A_24 = vector.broadcast %get3A_23 : vector<1x128xf32> to vector<10240x128xf32>
    %add3A_25 = arith.addf %mul3A_20, %add3A_24 : vector<10240x128xf32>
    %max3A = arith.constant 0.000000e+00 : f32
    %max3A_26 = vector.broadcast %max3A : f32 to vector<10240x128xf32>
    %max3A_27 = arith.maximumf %add3A_25, %max3A_26 : vector<10240x128xf32>
    %iota3A = tpu.iota {dimensions = array<i32: 0>} : vector<10240x1xi32>
    %lt3A = arith.constant 10000 : i32
    %lt3A_28 = vector.broadcast %lt3A : i32 to vector<10240x1xi32>
    %lt3A_29 = arith.cmpi slt, %iota3A, %lt3A_28 : vector<10240x1xi32>
    %mul3A_30 = arith.mulf %get3A_16, %add3A_13 : vector<10240x1xf32>
    %jit3A = arith.constant 0.000000e+00 : f32
    %broadcast_in_dim3A = vector.broadcast %jit3A : f32 to vector<10240x1xf32>
    %select_n3A = arith.select %lt3A_29, %mul3A_30, %broadcast_in_dim3A : vector<10240x1xi1>, vector<10240x1xf32>
    %mul3A_31 = vector.broadcast %select_n3A : vector<10240x1xf32> to vector<10240x128xf32>
    %mul3A_32 = arith.mulf %max3A_27, %mul3A_31 : vector<10240x128xf32>
    %reduce_sum3A = arith.constant dense<0.000000e+00> : vector<128xf32>
    %reduce_sum3A_33 = vector.multi_reduction <add>, %mul3A_32, %reduce_sum3A [0] : vector<10240x128xf32> to vector<128xf32>
    %broadcast_in_dim3A_34 = vector.shape_cast %reduce_sum3A_33 : vector<128xf32> to vector<1x128xf32>
    %get3A_35 = arith.constant 0 : index
    %get3A_36 = arith.constant 0 : index
    %get3A_37 = vector.load %arg4[%get3A_35, %get3A_36] : memref<128x128xf32, #tpu.memory_space<vmem>>, vector<128x128xf32>
    %dot_general3A = arith.constant dense<0.000000e+00> : vector<1x128xf32>
    %dot_general3A_38 = tpu.matmul %broadcast_in_dim3A_34, %get3A_37, %dot_general3A {dimension_numbers = #tpu.dot_dimension_numbers<[1], [0], [0], [1], [0, 0, 1, 1], [], []>, transpose_lhs_hint = false} : vector<1x128xf32>, vector<128x128xf32>, vector<1x128xf32> -> vector<1x128xf32>
    %mul3A_39 = arith.constant 9.99999974E-5 : f32
    %mul3A_40 = vector.broadcast %mul3A_39 : f32 to vector<1x128xf32>
    %mul3A_41 = arith.mulf %dot_general3A_38, %mul3A_40 : vector<1x128xf32>
    %get3A_42 = arith.constant 0 : index
    %get3A_43 = arith.constant 0 : index
    %get3A_44 = vector.load %arg5[%get3A_42, %get3A_43] : memref<1x128xf32, #tpu.memory_space<vmem>>, vector<1x128xf32>
    %add3A_45 = arith.addf %mul3A_41, %get3A_44 : vector<1x128xf32>
    %get3A_46 = arith.constant 0 : index
    %get3A_47 = arith.constant 0 : index
    %get3A_48 = vector.load %arg6[%get3A_46, %get3A_47] : memref<128x2xf32, #tpu.memory_space<vmem>>, vector<128x2xf32>
    %dot_general3A_49 = arith.constant dense<0.000000e+00> : vector<1x2xf32>
    %dot_general3A_50 = tpu.matmul %add3A_45, %get3A_48, %dot_general3A_49 {dimension_numbers = #tpu.dot_dimension_numbers<[1], [0], [0], [1], [0, 0, 1, 1], [], []>, transpose_lhs_hint = false} : vector<1x128xf32>, vector<128x2xf32>, vector<1x2xf32> -> vector<1x2xf32>
    %get3A_51 = arith.constant 0 : index
    %get3A_52 = arith.constant 0 : index
    %get3A_53 = vector.load %arg7[%get3A_51, %get3A_52] : memref<1x2xf32, #tpu.memory_space<vmem>>, vector<1x2xf32>
    %add3A_54 = arith.addf %dot_general3A_50, %get3A_53 : vector<1x2xf32>
    %swap3A = arith.constant 0 : index
    %swap3A_55 = arith.constant 0 : index
    %swap3A_56 = vector.load %arg8[%swap3A, %swap3A_55] : memref<1x2xf32, #tpu.memory_space<vmem>>, vector<1x2xf32>
    tpu.vector_store %arg8[%swap3A, %swap3A_55], %add3A_54 {strides = array<i32>} : memref<1x2xf32, #tpu.memory_space<vmem>>, vector<1x2xf32>,
    return
  }
}

</mosaic_0001>

<sc_bundles>
// kernel: kernel.6.cloned.1.call-start
scs
__scs_entry_jumppad:
0x0: {  	(pc) =	sbr.rel $0x88, $3  }
0x1: {  	(tag) =	ssettag $0x0;
	lr =	simm.s32 $0x1  }
0x2: {  	[smem:$0x3F99] =	sst lr;
	_ =	strace $0xD0000000  }
0x3: {  	_ = 	snop  }
0x4: {  	_ = 	snop  }
0x5: {  	_ = 	snop  }
0x6: {  	_ = 	snop  }
0x7: {  	_ = 	snop  }
__scs_overlays_trampoline_lowered:
0x8: {  	[smem:$0x3FA8] =	sst s0  }
0x9: {  	[smem:$0x3FA9] =	sst s1  }
0xa: {  	[smem:$0x3FAA] =	sst s2  }
0xb: {  	[smem:$0x3FAB] =	sst s3  }
0xc: {  	[smem:$0x3FAC] =	sst s4  }
0xd: {  	[smem:$0x3FAD] =	sst s5  }
0xe: {  	[smem:$0x3FAE] =	sst s6  }
0xf: {  	[smem:$0x3FAF] =	sst s7  }
0x10: {  	[smem:$0x3FB0] =	sst s8  }
0x11: {  	[smem:$0x3FB1] =	sst s9;
	s0 =	simm.s32 @!p0 $0x0  }
0x12: {  	s1 =	sld [smem:$0x3F97];
	s0 =	simm.s32 @p0 $0x1  }
0x13: {  	[smem:$0x3FB2] =	sst s0;
	s0 =	simm.s32 @!p1 $0x0  }
0x14: {  	s2 =	sld [smem:$0x3F96];
	s0 =	simm.s32 @p1 $0x1  }
0x15: {  	[smem:$0x3FB3] =	sst s0;
	s0 =	simm.s32 @!p2 $0x0  }
0x16: {  	s3 =	sld [smem:$0x3FDB];
	s0 =	simm.s32 @p2 $0x1  }
0x17: {  	s4 =	simm.s32 $0x1BF5;
	[smem:$0x3FB5] =	sst s0  }
0x18: {  	s0 =	sld [smem:$0x3F98];
	_ =	swait.ge [sflag:s4], $0x0  }
0x19: {  	s7 =	sld [smem:$0x3F99]  }
0x1a: {  	s8 =	sadd.s32 $0xFFFFE003, lr  }
0x1b: {  	s9 =	sadd.s32 $0xFFFFFEF7, lr;
	s5 =	simm.s32 $0xFFFFFFFF;
	p2 =	slt.u32 s8, $0xFFFFF086  }
0x1c: {  	p1 =	slt.u32 s9, $0xF7A;
	s5 =	simm.s32 @!p2 $0x0  }
0x1d: {  	s5 =	simm.s32 @p1 $0x1;
	p0 =	seq.s32 s7, s2  }
0x1e: {  	s7 =	smul.u32 @!p0 $0xF7A, s2;
	p2 =	seq.s32 @!p0 s5, $0x0  }
0x1f: {  	s9 =	smul.u32 $0xF7A, s1;
	s8 =	simm.s32 @!p0 $0x1BF5;
	p2 =	por !p2, p0  }
0x20: {  	[sflag:s8] =	ssyncset.s32 @!p0 $0xFFFFF086;
	s6 =	sadd.s32 @!p0 s3, s7;
	s7 =	simm.s32 @!p0 $0x108  }
0x21: {  	s3 =	sadd.s32 s3, s9;
	s6 =	sadd.s32 @!p0 $0x88, s6;
	s7 =	simm.s32 @p2 $0x1082  }
0x22: {  	[simem:s7], [sflag:s8] =	dma.local @!p0 [hbm:s6], $0xF7A  }
0x23: {  	s9 =	sor.u32 $0xD0000000, s2;
	s6 =	simm.s32 $0x108;
	_ =	swait.ge @!p0 [sflag:s8], $0x0  }
0x24: {  	s3 =	sadd.s32 $0x88, s3;
	s6 =	simm.s32 @!p1 $0x1082;
	[sflag:s4] =	ssyncset.s32 $0xFFFFF086  }
0x25: {  	[simem:s6], [sflag:s4] =	dma.local [hbm:s3], $0xF7A  }
0x26: {  	[smem:$0x3F99] =	sst s1;
	(tag) =	ssettag s2;
	_ =	strace s9  }
0x27: {  	s1 =	sld [smem:$0x3FA9]  }
0x28: {  	s2 =	sld [smem:$0x3FAA]  }
0x29: {  	s4 =	sld [smem:$0x3FAC]  }
0x2a: {  	p0 =	seq.s32 s5, $0x0;
	s5 =	sld [smem:$0x3FAD]  }
0x2b: {  	s6 =	sld [smem:$0x3FAE]  }
0x2c: {  	s7 =	sld [smem:$0x3FAF]  }
0x2d: {  	s3 =	simm.s32 $0x108;
	s8 =	sld [smem:$0x3FB0]  }
0x2e: {  	s3 =	simm.s32 @!p0 $0x1082;
	s9 =	sld [smem:$0x3FB1]  }
0x2f: {  	lr =	sadd.s32 s0, s3;
	s0 =	sld [smem:$0x3FA8]  }
0x30: {  	s3 =	sld [smem:$0x3FAB]  }
0x31: {  	[smem:$0x3FB4] =	sst s10  }
0x32: {  	s10 =	sld [smem:$0x3FB2];
	_ =	sdelay $0x3  }
0x33: {  	p0 =	seq.s32 s10, $0x1;
	s10 =	sld [smem:$0x3FB4];
	_ =	sdelay $0x3  }
0x34: {  	[smem:$0x3FB4] =	sst s10  }
0x35: {  	s10 =	sld [smem:$0x3FB3];
	_ =	sdelay $0x3  }
0x36: {  	p1 =	seq.s32 s10, $0x1;
	s10 =	sld [smem:$0x3FB4];
	_ =	sdelay $0x3  }
0x37: {  	[smem:$0x3FB4] =	sst s10  }
0x38: {  	s10 =	sld [smem:$0x3FB5]  }
0x39: {  	_ = 	snop;
	(pc) =	sbr.ind lr, $3  }
0x3a: {  	_ = 	snop  }
0x3b: {  	_ = 	snop  }
0x3c: {  	p2 =	seq.s32 s10, $0x1;
	s10 =	sld [smem:$0x3FB4]  }
0x3d: {  	_ =	shalt  }
0x3e: {  	_ =	shalt  }
0x3f: {  	_ =	shalt  }
0x40: {  	_ =	shalt  }
0x41: {  	_ =	shalt  }
0x42: {  	_ =	shalt  }
0x43: {  	_ =	shalt  }
0x44: {  	_ =	shalt  }
0x45: {  	_ =	shalt  }
0x46: {  	_ =	shalt  }
0x47: {  	_ =	shalt  }
0x48: {  	_ =	shalt  }
0x49: {  	_ =	shalt  }
0x4a: {  	_ =	shalt  }
0x4b: {  	_ =	shalt  }
0x4c: {  	_ =	shalt  }
0x4d: {  	_ =	shalt  }
0x4e: {  	_ =	shalt  }
0x4f: {  	_ =	shalt  }
0x50: {  	_ =	shalt  }
0x51: {  	_ =	shalt  }
0x52: {  	_ =	shalt  }
0x53: {  	_ =	shalt  }
0x54: {  	_ =	shalt  }
0x55: {  	_ =	shalt  }
0x56: {  	_ =	shalt  }
0x57: {  	_ =	shalt  }
0x58: {  	_ =	shalt  }
0x59: {  	_ =	shalt  }
0x5a: {  	_ =	shalt  }
0x5b: {  	_ =	shalt  }
0x5c: {  	_ =	shalt  }
0x5d: {  	_ =	shalt  }
0x5e: {  	_ =	shalt  }
0x5f: {  	_ =	shalt  }
0x60: {  	_ =	shalt  }
0x61: {  	_ =	shalt  }
0x62: {  	_ =	shalt  }
0x63: {  	_ =	shalt  }
0x64: {  	_ =	shalt  }
0x65: {  	_ =	shalt  }
0x66: {  	_ =	shalt  }
0x67: {  	_ =	shalt  }
0x68: {  	_ =	shalt  }
0x69: {  	_ =	shalt  }
0x6a: {  	_ =	shalt  }
0x6b: {  	_ =	shalt  }
0x6c: {  	_ =	shalt  }
0x6d: {  	_ =	shalt  }
0x6e: {  	_ =	shalt  }
0x6f: {  	_ =	shalt  }
0x70: {  	_ =	shalt  }
0x71: {  	_ =	shalt  }
0x72: {  	_ =	shalt  }
0x73: {  	_ =	shalt  }
0x74: {  	_ =	shalt  }
0x75: {  	_ =	shalt  }
0x76: {  	_ =	shalt  }
0x77: {  	_ =	shalt  }
0x78: {  	_ =	shalt  }
0x79: {  	_ =	shalt  }
0x7a: {  	_ =	shalt  }
0x7b: {  	_ =	shalt  }
0x7c: {  	_ =	shalt  }
0x7d: {  	_ =	shalt  }
0x7e: {  	_ =	shalt  }
0x7f: {  	_ =	shalt  }
0x80: {  	_ =	shalt  }
0x81: {  	_ =	shalt  }
0x82: {  	_ =	shalt  }
0x83: {  	_ =	shalt  }
0x84: {  	_ =	shalt  }
0x85: {  	_ =	shalt  }
0x86: {  	_ =	shalt  }
0x87: {  	_ =	shalt  }
.Lfunc_end0:
.L_simem_size_0:
called_computation_lowered:
.L_overlay_start_0:
0x88: {  	s2 =	sld [smem:$0x3FD9]  }
0x89: {  	s3 =	sld [smem:$0x3FFE];
	_ =	sdelay $0x1  }
0x8a: {  	s1 =	srdreg.scid  }
0x8b: {  	s0 =	sand.u32 $0x1, s1  }
0x8c: {  	s16 =	sshll.u32 s0, $0xA;
	s2 =	sadd.s32 s3, s2  }
0x8d: {  	s2 =	sadd.s32 s2, s16  }
0x8e: {  	[smem:$0x3FC0] =	sst s2  }
0x8f: {  	_ = 	snop  }
0x90: {  	(tm) =	ssettm $0x1  }
0x91: {  	s17 =	sld [smem:$0x3FFB];
	_ =	sdelay $0x3  }
0x92: {  	_ =	strace s17  }
0x93: {  	s2 =	sld [smem:$0x3FFC];
	_ =	sdelay $0x3  }
0x94: {  	_ =	strace s2  }
0x95: {  	s2 =	sld [smem:$0x3FFD];
	_ =	sdelay $0x3  }
0x96: {  	_ =	strace s2  }
0x97: {  	_ =	strace $0x8FFFFFFF  }
0x98: {  	s18 =	sld [smem:$0x3FDB];
	_ =	sdelay $0x1  }
0x99: {  	s19 =	simm.s32 $_scs_section_size  }
0x9a: {  	s4 =	simm.s32 $_size__tile_overlayer_lowered;
	s5 =	simm.s32 $_tile_overlayer_lowered  }
0x9b: {  	s22 =	simm.s32 $0x1BFF;
	s21 =	sshll.u32 s5, $0x1;
	s2 =	sadd.s32 s19, s18  }
0x9c: {  	s6 =	simm.s32 $0x0;
	s20 =	sshll.u32 s4, $0x1;
	s4 =	sadd.s32 s21, s2  }
0x9d: {  	[timem:s6], [sflag:s22] =	dma.local [hbm:s4], s20  }
0x9e: {  	_ =	swait.ge [sflag:s22], s20  }
0x9f: {  	s3 =	ssub.s32 $0x0, s20;
	[sflag:s22] =	ssyncset.done $0x0  }
0xa0: {  	[sflag:s22] =	ssyncadd.s32 s3;
	_ =	sdelay $0x1  }
0xa1: {  	s23 =	simm.s32 $0x1B8B  }
0xa2: {  	_ =	swait.ge [sflag:s23], $0x1  }
0xa3: {  	[sflag:s23] =	ssyncset.done $0x0  }
0xa4: {  	s25 =	simm.s32 $0x1B8E;
	s24 =	sld [smem:$0x3FFE];
	[sflag:s23] =	ssyncadd.s32 $0xFFFFFFFF  }
0xa5: {  	s26 =	simm.s32 $execute0_lowered;
	[smem:$0x3FD2] =	sst s25  }
0xa6: {  	s4 =	sshll.u32 s26, $0x1;
	_ =	strace $0x80000046;
	[dreg:$0x1] =	wrdreg $0xFFFFFFFF  }
0xa7: {  	s28 =	simm.s32 $_size_execute0_lowered;
	s2 =	sadd.s32 s2, s4;
	[dreg:$0x0] =	wrdreg $0x0  }
0xa8: {  	s4 =	sshll.u32 s28, $0x1;
	[dreg:$0x2] =	wrdreg s2  }
0xa9: {  	[dreg:$0x3] =	wrdreg s4  }
0xaa: {  	[dreg:$0x4] =	wrdreg $0xC0  }
0xab: {  	_ =	task [dreg:s6], $0x5FFFF  }
0xac: {  	[dreg:$0x1] =	wrdreg $0xFFFFFFFF  }
0xad: {  	[dreg:$0x0] =	wrdreg $0x60  }
0xae: {  	[dreg:$0x2] =	wrdreg s24  }
0xaf: {  	[dreg:$0x3] =	wrdreg $0xA0000  }
0xb0: {  	[dreg:$0x4] =	wrdreg $0x9  }
0xb1: {  	_ =	task.clear_ibuf [dreg:s6], $0x5FFFF;
	_ =	strace $0x90000046  }
0xb2: {  	s29 =	simm.s32 $0x9;
	_ =	strace $0x80000048  }
0xb3: {  	_ =	swait.ge [sflag:s29], $0x1  }
0xb4: {  	[sflag:s29] =	ssyncadd.s32 $0xFFFFFFFF  }
0xb5: {  	_ =	strace $0x90000048  }
0xb6: {  	_ =	sfence  }
0xb7: {  	s30 =	sld [smem:$0x0];
	_ =	sdelay $0x2  }
0xb8: {  	s31 =	sshll.u32 s1, $0xD;
	s1 =	sshrl.u32 s1, $0x2  }
0xb9: {  	s3 =	sand.u32 $0x4000, s31;
	s1 =	sadd.s32 s1, s30  }
0xba: {  	s0 =	sor.u32 s3, s0;
	s1 =	sshll.u32 s1, $0x11  }
0xbb: {  	s0 =	sor.u32 s1, s0  }
0xbc: {  	s0 =	sadd.s32 $0x8F2B, s0  }
0xbd: {  	[sflag:s0] =	ssyncadd.remote.s32 $0x1  }
0xbe: {  	_ =	sfence.sel $0xFFFF  }
0xbf: {  	[dreg:$0x0] =	wrdreg $0xFFFFFFFF;
	(pc) =	sbr.abs _section_cstart, $3  }
0xc0: {  	[dreg:$0x1] =	wrdreg $0xFFFFFFFF  }
0xc1: {  	_ =	task.clear_ibuf [dreg:s6], $0x2FFFF;
	_ =	strace $0x9FFFFFFF  }
0xc2: {  	(tm) =	ssettm $0x7FFFFFFF  }
0xc3: {  	_ =	shalt  }
tec
execute0_lowered:
.L_overlay_start_1:
0x0: {  	(tag) =	ssettag $0x1  }
0x1: {  	s4 =	rddreg [dreg:$0x0]  }
0x2: {  	s0 =	srdreg.scid;
	s6 =	rddreg [dreg:$0x1];
	s2 =	simm.s32 $0x0  }
0x3: {  	s11 =	simm.s32 $0x2800;
	s12 =	simm.s32 $0x5000;
	s13 =	simm.s32 $0x7800  }
0x4: {  	s14 =	simm.s32 $0x80;
	s15 =	simm.s32 $0x400;
	s16 =	simm.s32 $0xCA80  }
0x5: {  	s17 =	simm.s32 $0x100;
	s18 =	simm.s32 $0xC800;
	s3 =	sand.u32 $0x1, s0  }
0x6: {  	s19 =	simm.s32 $0x0;
	s0 =	stileid.u32;
	s7 =	smul.u32 $0x5000, s3  }
0x7: {  	[smem:$0x7FF] =	sst s2;
	s1 =	sshll.u32 s3, $0x4;
	s8 =	smul.u32 $0x500, s0  }
0x8: {  	s3 =	ssub.s32 $0x2, s3;
	s26 =	sshrl.u32 s0, $0x3;
	s30 =	smul.u32 $0x5000, s0  }
0x9: {  	s31 =	sshll.u32 s0, $0x7;
	s1 =	sor.u32 s0, s1;
	s29 =	smul.u32 $0x50000, s26  }
0xa: {  	s28 =	sshrl.u32 s3, $0x1;
	s5 =	smul.u32 $0x500, s1;
	s1 =	rddreg [dreg:$0x2]  }
0xb: {  	_ =	strace $0x80000047;
	s7 =	sadd.s32 s8, s7;
	s10 =	ssub.s32 s3, s28  }
0xc: {  	s8 =	sshrl.u32 s30, $0x2;
	s7 =	sshrl.u32 s7, $0x3;
	s5 =	sadd.s32 s5, s4  }
0xd: {  	s9 =	sadd.s32 s7, s4;
	s7 =	sshrl.u32 s29, $0x2;
	s3 =	sadd.s32 $0x1800, s5  }
0xe: {  	s4 =	sadd.s32 $0xB800, s5;
	s5 =	sand.u32 $0x380, s31;
	s7 =	sadd.s32 s7, s6  }
0xf: {  	s6 =	sadd.s32 s8, s6;
	s8 =	sadd.s32 $0x15810, s9;
	s5 =	sadd.s32 s5, s7  }
0x10: {  	v0 =	vimm.f32 $0.0e+00;
	v1 =	vimm.f32 $1.000000000e+00;
	s7 =	sadd.s32 $0x15800, s9;
	s9 =	smax.u32 s10, $0x1;
	s10 =	simm.s32 $0x1  }
.LBB2_1:
0x11: {  	[tilespmem:s2], [sflag:$0x1] =	stream.linear.gather [hbm4b:s3+s2], $0x2780, $0x38;
	[tilespmem:$0xCD00] =	vst v63  }
0x12: {  	_ =	swait.ge [sflag:s10], $0x2780  }
0x13: {  	[sflag:s10] =	ssyncset.done $0x0  }
0x14: {  	[sflag:s10] =	ssyncadd.s32 $0xFFFFD880  }
0x15: {  	[tilespmem:s11], [sflag:$0x1] =	stream.linear.gather [hbm4b:s4+s2], $0x2780, $0x38;
	[tilespmem:$0xCD00] =	vst v63  }
0x16: {  	_ =	swait.ge [sflag:s10], $0x2780  }
0x17: {  	[sflag:s10] =	ssyncset.done $0x0  }
0x18: {  	s20 =	simm.s32 $0x40;
	s21 =	simm.s32 $0x0;
	[sflag:s10] =	ssyncadd.s32 $0xFFFFD880  }
.LBB2_2:
0x19: {  	p0 =	sne.s32 s20, $0x9FC0;
	[tilespmem:s21+$0x5000] =	vst v0;
	s21 =	smov.u32 s20;
	s20 =	sadd.s32 $0x40, s20  }
.Ltmp0:
0x1a: {  	(pc) =	sbr.rel @p0 .LBB2_2-.Ltmp0, $2  }
0x1b: {  	_ =	sdelay $0x2  }
0x1c: {  	s21 =	sshra.s32 s21, $0x2  }
0x1d: {  	[tilespmem:s21+$0x5000] =	vst v0;
	s20 =	simm.s32 $0x0;
	s21 =	simm.s32 $0x40;
	s22 =	simm.s32 $0x0  }
.LBB2_4:
0x1e: {  	p0 =	sne.s32 s21, $0x9FC0;
	[tilespmem:s22+$0x7800] =	vst v0;
	s22 =	smov.u32 s21;
	s21 =	sadd.s32 $0x40, s21  }
.Ltmp1:
0x1f: {  	(pc) =	sbr.rel @p0 .LBB2_4-.Ltmp1, $2  }
0x20: {  	_ =	sdelay $0x2  }
0x21: {  	s22 =	sshra.s32 s22, $0x2  }
0x22: {  	[tilespmem:s22+$0x7800] =	vst v0  }
.LBB2_6:
0x23: {  	s21 =	sshra.s32 s20, $0x2  }
0x24: {  	v2 =	vld [tilespmem:s21+$0x0]  }
0x25: {  	v3 =	vld [tilespmem:s21+$0x2800];
	_ =	sdelay $0x6  }
0x26: {  	[tilespmem:v2+s12+$0x0] =	vst.idx.add.f32.msk $0xffff, v1  }
0x27: {  	[tilespmem:v3+s13+$0x0] =	vst.idx.add.f32.msk $0xffff, v1  }
0x28: {  	v2 =	vld [tilespmem:s21+$0x10]  }
0x29: {  	v3 =	vld [tilespmem:s21+$0x2810];
	_ =	sdelay $0x6  }
0x2a: {  	[tilespmem:v2+s12+$0x0] =	vst.idx.add.f32.msk $0xffff, v1  }
0x2b: {  	[tilespmem:v3+s13+$0x0] =	vst.idx.add.f32.msk $0xffff, v1  }
0x2c: {  	v2 =	vld [tilespmem:s21+$0x20]  }
0x2d: {  	v3 =	vld [tilespmem:s21+$0x2820];
	_ =	sdelay $0x6  }
0x2e: {  	[tilespmem:v2+s12+$0x0] =	vst.idx.add.f32.msk $0xffff, v1  }
0x2f: {  	[tilespmem:v3+s13+$0x0] =	vst.idx.add.f32.msk $0xffff, v1  }
0x30: {  	v2 =	vld [tilespmem:s21+$0x30]  }
0x31: {  	v3 =	vld [tilespmem:s21+$0x2830];
	_ =	sdelay $0x6  }
0x32: {  	[tilespmem:v2+s12+$0x0] =	vst.idx.add.f32.msk $0xffff, v1  }
0x33: {  	[tilespmem:v3+s13+$0x0] =	vst.idx.add.f32.msk $0xffff, v1  }
0x34: {  	v2 =	vld [tilespmem:s21+$0x40]  }
0x35: {  	v3 =	vld [tilespmem:s21+$0x2840];
	_ =	sdelay $0x6  }
0x36: {  	[tilespmem:v2+s12+$0x0] =	vst.idx.add.f32.msk $0xffff, v1  }
0x37: {  	[tilespmem:v3+s13+$0x0] =	vst.idx.add.f32.msk $0xffff, v1  }
0x38: {  	v2 =	vld [tilespmem:s21+$0x50]  }
0x39: {  	v3 =	vld [tilespmem:s21+$0x2850];
	_ =	sdelay $0x6  }
0x3a: {  	[tilespmem:v2+s12+$0x0] =	vst.idx.add.f32.msk $0xffff, v1  }
0x3b: {  	[tilespmem:v3+s13+$0x0] =	vst.idx.add.f32.msk $0xffff, v1  }
0x3c: {  	v2 =	vld [tilespmem:s21+$0x60]  }
0x3d: {  	v3 =	vld [tilespmem:s21+$0x2860];
	_ =	sdelay $0x6  }
0x3e: {  	[tilespmem:v2+s12+$0x0] =	vst.idx.add.f32.msk $0xffff, v1  }
0x3f: {  	[tilespmem:v3+s13+$0x0] =	vst.idx.add.f32.msk $0xffff, v1  }
0x40: {  	v2 =	vld [tilespmem:s21+$0x70]  }
0x41: {  	v3 =	vld [tilespmem:s21+$0x2870];
	_ =	sdelay $0x2  }
0x42: {  	p0 =	sne.s32 s20, $0x9C00  }
.Ltmp2:
0x43: {  	_ = 	snop;
	(pc) =	sbr.rel @p0 .LBB2_6-.Ltmp2, $3  }
0x44: {  	_ =	sdelay $0x1  }
0x45: {  	[tilespmem:v2+s12+$0x0] =	vst.idx.add.f32.msk $0xffff, v1  }
0x46: {  	s20 =	sadd.s32 $0x200, s20;
	[tilespmem:v3+s13+$0x0] =	vst.idx.add.f32.msk $0xffff, v1  }
0x47: {  	[spmem:s5] =	stream.strided.scatter [tilespmem:s12], [sflag:$0x1], $0x2800, s15, s14, $0x38;
	[tilespmem:$0xCD00] =	vst v63  }
0x48: {  	_ =	swait.ge [sflag:s10], $0x2800  }
0x49: {  	[sflag:s10] =	ssyncset.done $0x0  }
0x4a: {  	[sflag:s10] =	ssyncadd.s32 $0xFFFFD800  }
0x4b: {  	[bflag:$0x0] =	sbarrier.arrive $0xFFFF  }
0x4c: {  	[tilespmem:$0xC800] =	vst v0  }
0x4d: {  	[tilespmem:$0xC810] =	vst v0  }
0x4e: {  	[tilespmem:$0xC820] =	vst v0  }
0x4f: {  	[tilespmem:$0xC830] =	vst v0  }
0x50: {  	[tilespmem:$0xC840] =	vst v0  }
0x51: {  	[tilespmem:$0xC850] =	vst v0  }
0x52: {  	[tilespmem:$0xC860] =	vst v0  }
0x53: {  	[tilespmem:$0xC870] =	vst v0  }
0x54: {  	[tilespmem:$0xC880] =	vst v0  }
0x55: {  	[tilespmem:$0xC890] =	vst v0  }
0x56: {  	[tilespmem:$0xC8A0] =	vst v0  }
0x57: {  	[tilespmem:$0xC8B0] =	vst v0  }
0x58: {  	[tilespmem:$0xC8C0] =	vst v0  }
0x59: {  	[tilespmem:$0xC8D0] =	vst v0  }
0x5a: {  	[tilespmem:$0xC8E0] =	vst v0  }
0x5b: {  	[tilespmem:$0xC8F0] =	vst v0  }
0x5c: {  	[tilespmem:$0xC900] =	vst v0  }
0x5d: {  	[tilespmem:$0xC910] =	vst v0  }
0x5e: {  	[tilespmem:$0xC920] =	vst v0  }
0x5f: {  	[tilespmem:$0xC930] =	vst v0  }
0x60: {  	[tilespmem:$0xC940] =	vst v0  }
0x61: {  	[tilespmem:$0xC950] =	vst v0  }
0x62: {  	[tilespmem:$0xC960] =	vst v0  }
0x63: {  	[tilespmem:$0xC970] =	vst v0  }
0x64: {  	[tilespmem:$0xC980] =	vst v0  }
0x65: {  	[tilespmem:$0xC990] =	vst v0  }
0x66: {  	[tilespmem:$0xC9A0] =	vst v0  }
0x67: {  	[tilespmem:$0xC9B0] =	vst v0  }
0x68: {  	[tilespmem:$0xC9C0] =	vst v0  }
0x69: {  	[tilespmem:$0xC9D0] =	vst v0  }
0x6a: {  	[tilespmem:$0xC9E0] =	vst v0  }
0x6b: {  	[tilespmem:$0xC9F0] =	vst v0  }
0x6c: {  	[tilespmem:$0xCA00] =	vst v0  }
0x6d: {  	[tilespmem:$0xCA10] =	vst v0  }
0x6e: {  	[tilespmem:$0xCA20] =	vst v0  }
0x6f: {  	[tilespmem:$0xCA30] =	vst v0  }
0x70: {  	[tilespmem:$0xCA40] =	vst v0  }
0x71: {  	[tilespmem:$0xCA50] =	vst v0  }
0x72: {  	[tilespmem:$0xCA60] =	vst v0  }
0x73: {  	s20 =	simm.s32 $0x0;
	[tilespmem:$0xCA70] =	vst v0  }
.LBB2_8:
0x74: {  	s21 =	sshrl.u32 s20, $0x3  }
0x75: {  	s21 =	smul.u32 $0x50000, s21;
	_ =	sdelay $0x1  }
0x76: {  	s22 =	sshll.u32 s20, $0x7;
	s21 =	sshra.s32 s21, $0x2  }
0x77: {  	s22 =	sand.u32 $0x380, s22;
	s21 =	sadd.s32 s21, s6  }
0x78: {  	s21 =	sadd.s32 s22, s21  }
0x79: {  	[tilespmem:s16], [sflag:$0x1] =	stream.strided.gather [spmem:s21], $0x280, s15, s14, $0x38;
	[tilespmem:$0xCD00] =	vst v63  }
0x7a: {  	_ =	swait.ge [sflag:s10], $0x280  }
0x7b: {  	[sflag:s10] =	ssyncset.done $0x0  }
0x7c: {  	s21 =	simm.s32 $0x0;
	[sflag:s10] =	ssyncadd.s32 $0xFFFFFD80  }
0x7d: {  	s22 =	simm.s32 $0x40;
	v2 =	vld [tilespmem:s21+$0xCA80]  }
.LBB2_9:
0x7e: {  	p0 =	sne.s32 s22, $0x9C0;
	v3 =	vld [tilespmem:s21+$0xC800];
	_ =	sdelay $0x2  }
.Ltmp3:
0x7f: {  	(pc) =	sbr.rel @p0 .LBB2_9-.Ltmp3, $4  }
0x80: {  	_ = 	snop  }
0x81: {  	v3 =	vadd.f32 v2, v3  }
0x82: {  	s23 =	sshra.s32 s22, $0x2  }
0x83: {  	s22 =	sadd.s32 $0x40, s22;
	v2 =	vld [tilespmem:s23+$0xCA80];
	[tilespmem:s21+$0xC800] =	vst v3;
	s21 =	smov.u32 s23  }
0x84: {  	v3 =	vld [tilespmem:s21+$0xC800]  }
0x85: {  	s20 =	sadd.s32 $0x1, s20  }
0x86: {  	p0 =	sne.s32 s20, $0x10  }
.Ltmp4:
0x87: {  	_ = 	snop;
	(pc) =	sbr.rel @p0 .LBB2_8-.Ltmp4, $3  }
0x88: {  	_ = 	snop  }
0x89: {  	v2 =	vadd.f32 v2, v3;
	_ =	sdelay $0x1  }
0x8a: {  	[tilespmem:s21+$0xC800] =	vst v2  }
0x8b: {  	[hbm4b:s7+s14] =	stream.strided.scatter [tilespmem:s18], [sflag:$0x1], $0x280, s17, s14, $0x38;
	[tilespmem:$0xCD00] =	vst v63  }
0x8c: {  	_ =	swait.ge [sflag:s10], $0x280  }
0x8d: {  	[sflag:s10] =	ssyncset.done $0x0  }
0x8e: {  	[sflag:s10] =	ssyncadd.s32 $0xFFFFFD80  }
0x8f: {  	[bflag:$0x0] =	sbarrier.arrive $0xFFFF  }
0x90: {  	[spmem:s5] =	stream.strided.scatter [tilespmem:s13], [sflag:$0x1], $0x2800, s15, s14, $0x38;
	[tilespmem:$0xCD00] =	vst v63  }
0x91: {  	_ =	swait.ge [sflag:s10], $0x2800  }
0x92: {  	[sflag:s10] =	ssyncset.done $0x0  }
0x93: {  	[sflag:s10] =	ssyncadd.s32 $0xFFFFD800  }
0x94: {  	[bflag:$0x0] =	sbarrier.arrive $0xFFFF  }
0x95: {  	[tilespmem:$0xC800] =	vst v0  }
0x96: {  	[tilespmem:$0xC810] =	vst v0  }
0x97: {  	[tilespmem:$0xC820] =	vst v0  }
0x98: {  	[tilespmem:$0xC830] =	vst v0  }
0x99: {  	[tilespmem:$0xC840] =	vst v0  }
0x9a: {  	[tilespmem:$0xC850] =	vst v0  }
0x9b: {  	[tilespmem:$0xC860] =	vst v0  }
0x9c: {  	[tilespmem:$0xC870] =	vst v0  }
0x9d: {  	[tilespmem:$0xC880] =	vst v0  }
0x9e: {  	[tilespmem:$0xC890] =	vst v0  }
0x9f: {  	[tilespmem:$0xC8A0] =	vst v0  }
0xa0: {  	[tilespmem:$0xC8B0] =	vst v0  }
0xa1: {  	[tilespmem:$0xC8C0] =	vst v0  }
0xa2: {  	[tilespmem:$0xC8D0] =	vst v0  }
0xa3: {  	[tilespmem:$0xC8E0] =	vst v0  }
0xa4: {  	[tilespmem:$0xC8F0] =	vst v0  }
0xa5: {  	[tilespmem:$0xC900] =	vst v0  }
0xa6: {  	[tilespmem:$0xC910] =	vst v0  }
0xa7: {  	[tilespmem:$0xC920] =	vst v0  }
0xa8: {  	[tilespmem:$0xC930] =	vst v0  }
0xa9: {  	[tilespmem:$0xC940] =	vst v0  }
0xaa: {  	[tilespmem:$0xC950] =	vst v0  }
0xab: {  	[tilespmem:$0xC960] =	vst v0  }
0xac: {  	[tilespmem:$0xC970] =	vst v0  }
0xad: {  	[tilespmem:$0xC980] =	vst v0  }
0xae: {  	[tilespmem:$0xC990] =	vst v0  }
0xaf: {  	[tilespmem:$0xC9A0] =	vst v0  }
0xb0: {  	[tilespmem:$0xC9B0] =	vst v0  }
0xb1: {  	[tilespmem:$0xC9C0] =	vst v0  }
0xb2: {  	[tilespmem:$0xC9D0] =	vst v0  }
0xb3: {  	[tilespmem:$0xC9E0] =	vst v0  }
0xb4: {  	[tilespmem:$0xC9F0] =	vst v0  }
0xb5: {  	[tilespmem:$0xCA00] =	vst v0  }
0xb6: {  	[tilespmem:$0xCA10] =	vst v0  }
0xb7: {  	[tilespmem:$0xCA20] =	vst v0  }
0xb8: {  	[tilespmem:$0xCA30] =	vst v0  }
0xb9: {  	[tilespmem:$0xCA40] =	vst v0  }
0xba: {  	[tilespmem:$0xCA50] =	vst v0  }
0xbb: {  	[tilespmem:$0xCA60] =	vst v0  }
0xbc: {  	s20 =	simm.s32 $0x0;
	[tilespmem:$0xCA70] =	vst v0  }
.LBB2_12:
0xbd: {  	s21 =	sshrl.u32 s20, $0x3  }
0xbe: {  	s21 =	smul.u32 $0x50000, s21;
	_ =	sdelay $0x1  }
0xbf: {  	s22 =	sshll.u32 s20, $0x7;
	s21 =	sshra.s32 s21, $0x2  }
0xc0: {  	s22 =	sand.u32 $0x380, s22;
	s21 =	sadd.s32 s21, s6  }
0xc1: {  	s21 =	sadd.s32 s22, s21  }
0xc2: {  	[tilespmem:s16], [sflag:$0x1] =	stream.strided.gather [spmem:s21], $0x280, s15, s14, $0x38;
	[tilespmem:$0xCD00] =	vst v63  }
0xc3: {  	_ =	swait.ge [sflag:s10], $0x280  }
0xc4: {  	[sflag:s10] =	ssyncset.done $0x0  }
0xc5: {  	s21 =	simm.s32 $0x0;
	[sflag:s10] =	ssyncadd.s32 $0xFFFFFD80  }
0xc6: {  	s22 =	simm.s32 $0x40;
	v2 =	vld [tilespmem:s21+$0xCA80]  }
.LBB2_13:
0xc7: {  	p0 =	sne.s32 s22, $0x9C0;
	v3 =	vld [tilespmem:s21+$0xC800];
	_ =	sdelay $0x2  }
.Ltmp5:
0xc8: {  	(pc) =	sbr.rel @p0 .LBB2_13-.Ltmp5, $4  }
0xc9: {  	_ = 	snop  }
0xca: {  	v3 =	vadd.f32 v2, v3  }
0xcb: {  	s23 =	sshra.s32 s22, $0x2  }
0xcc: {  	s22 =	sadd.s32 $0x40, s22;
	v2 =	vld [tilespmem:s23+$0xCA80];
	[tilespmem:s21+$0xC800] =	vst v3;
	s21 =	smov.u32 s23  }
0xcd: {  	v3 =	vld [tilespmem:s21+$0xC800]  }
0xce: {  	s20 =	sadd.s32 $0x1, s20  }
0xcf: {  	p0 =	sne.s32 s20, $0x10  }
.Ltmp6:
0xd0: {  	_ = 	snop;
	(pc) =	sbr.rel @p0 .LBB2_12-.Ltmp6, $3  }
0xd1: {  	_ = 	snop  }
0xd2: {  	v2 =	vadd.f32 v2, v3;
	_ =	sdelay $0x1  }
0xd3: {  	[tilespmem:s21+$0xC800] =	vst v2  }
0xd4: {  	[hbm4b:s8+s14] =	stream.strided.scatter [tilespmem:s18], [sflag:$0x1], $0x280, s17, s14, $0x38;
	[tilespmem:$0xCD00] =	vst v63  }
0xd5: {  	s19 =	sadd.s32 $0x1, s19  }
0xd6: {  	p0 =	sne.s32 s19, s9  }
.Ltmp7:
0xd7: {  	_ =	swait.ge [sflag:s10], $0x280;
	(pc) =	sbr.rel @p0 .LBB2_1-.Ltmp7, $3  }
0xd8: {  	[sflag:s10] =	ssyncset.done $0x0  }
0xd9: {  	[sflag:s10] =	ssyncadd.s32 $0xFFFFFD80  }
0xda: {  	[bflag:$0x0] =	sbarrier.arrive $0xFFFF;
	_ =	sdelay $0x1  }
0xdb: {  	_ =	sfence.sel $0x180000  }
0xdc: {  	[bflag:$0x0] =	sbarrier.arrive $0xFFFF  }
0xdd: {  	p0 =	sne.s32 s0, $0x0;
	_ =	strace $0x90000047  }
0xde: {  	s0 =	sadd.s32 @!p0 $0x100000, s1;
	[bflag:$0x2] =	sbarrier.arrive $0xFFFF  }
0xdf: {  	[sflag:s0] =	ssyncadd.tile.s32 @!p0 $0x1;
	_ =	shalt  }
.Lfunc_end2:
_tile_overlayer_lowered:
.L_overlay_start_2:
0xe0: {  	(tag) =	ssettag $0x2  }
0xe1: {  	s0 =	rddreg [dreg:$0x0];
	s2 =	stileid.u32  }
0xe2: {  	s1 =	rddreg [dreg:$0x1];
	p0 =	sne.s32 s2, $0x0  }
0xe3: {  	s3 =	rddreg [dreg:$0x2];
	[bflag:$0x3] =	sbarrier.arrive $0xFFFF;
	s2 =	simm.s32 @!p0 $0x1C01  }
0xe4: {  	[timem:s3], [sflag:s2] =	dma.local @!p0 [hbm:s0], s1  }
0xe5: {  	s0 =	simm.s32 @!p0 $0x1  }
0xe6: {  	_ =	swait.ge @!p0 [sflag:s0], s1  }
0xe7: {  	s1 =	ssub.s32 @!p0 $0x0, s1;
	[sflag:s0] =	ssyncset.done @!p0 $0x0  }
0xe8: {  	[sflag:s0] =	ssyncadd.s32 @!p0 s1  }
0xe9: {  	[bflag:$0x3] =	sbarrier.arrive $0xFFFF  }
0xea: {  	_ =	shalt  }

// kernel: kernel.9.cloned.1.call-start
scs
__scs_entry_jumppad:
0x0: {  	(pc) =	sbr.rel $0x88, $3  }
0x1: {  	(tag) =	ssettag $0x0;
	lr =	simm.s32 $0x1  }
0x2: {  	[smem:$0x3F99] =	sst lr;
	_ =	strace $0xD0000000  }
0x3: {  	_ = 	snop  }
0x4: {  	_ = 	snop  }
0x5: {  	_ = 	snop  }
0x6: {  	_ = 	snop  }
0x7: {  	_ = 	snop  }
__scs_overlays_trampoline_lowered:
0x8: {  	[smem:$0x3FA8] =	sst s0  }
0x9: {  	[smem:$0x3FA9] =	sst s1  }
0xa: {  	[smem:$0x3FAA] =	sst s2  }
0xb: {  	[smem:$0x3FAB] =	sst s3  }
0xc: {  	[smem:$0x3FAC] =	sst s4  }
0xd: {  	[smem:$0x3FAD] =	sst s5  }
0xe: {  	[smem:$0x3FAE] =	sst s6  }
0xf: {  	[smem:$0x3FAF] =	sst s7  }
0x10: {  	[smem:$0x3FB0] =	sst s8  }
0x11: {  	[smem:$0x3FB1] =	sst s9;
	s0 =	simm.s32 @!p0 $0x0  }
0x12: {  	s1 =	sld [smem:$0x3F97];
	s0 =	simm.s32 @p0 $0x1  }
0x13: {  	[smem:$0x3FB2] =	sst s0;
	s0 =	simm.s32 @!p1 $0x0  }
0x14: {  	s2 =	sld [smem:$0x3F96];
	s0 =	simm.s32 @p1 $0x1  }
0x15: {  	[smem:$0x3FB3] =	sst s0;
	s0 =	simm.s32 @!p2 $0x0  }
0x16: {  	s3 =	sld [smem:$0x3FDB];
	s0 =	simm.s32 @p2 $0x1  }
0x17: {  	s4 =	simm.s32 $0x1BF5;
	[smem:$0x3FB5] =	sst s0  }
0x18: {  	s0 =	sld [smem:$0x3F98];
	_ =	swait.ge [sflag:s4], $0x0  }
0x19: {  	s7 =	sld [smem:$0x3F99]  }
0x1a: {  	s8 =	sadd.s32 $0xFFFFE003, lr  }
0x1b: {  	s9 =	sadd.s32 $0xFFFFFEF7, lr;
	s5 =	simm.s32 $0xFFFFFFFF;
	p2 =	slt.u32 s8, $0xFFFFF086  }
0x1c: {  	p1 =	slt.u32 s9, $0xF7A;
	s5 =	simm.s32 @!p2 $0x0  }
0x1d: {  	s5 =	simm.s32 @p1 $0x1;
	p0 =	seq.s32 s7, s2  }
0x1e: {  	s7 =	smul.u32 @!p0 $0xF7A, s2;
	p2 =	seq.s32 @!p0 s5, $0x0  }
0x1f: {  	s9 =	smul.u32 $0xF7A, s1;
	s8 =	simm.s32 @!p0 $0x1BF5;
	p2 =	por !p2, p0  }
0x20: {  	[sflag:s8] =	ssyncset.s32 @!p0 $0xFFFFF086;
	s6 =	sadd.s32 @!p0 s3, s7;
	s7 =	simm.s32 @!p0 $0x108  }
0x21: {  	s3 =	sadd.s32 s3, s9;
	s6 =	sadd.s32 @!p0 $0x88, s6;
	s7 =	simm.s32 @p2 $0x1082  }
0x22: {  	[simem:s7], [sflag:s8] =	dma.local @!p0 [hbm:s6], $0xF7A  }
0x23: {  	s9 =	sor.u32 $0xD0000000, s2;
	s6 =	simm.s32 $0x108;
	_ =	swait.ge @!p0 [sflag:s8], $0x0  }
0x24: {  	s3 =	sadd.s32 $0x88, s3;
	s6 =	simm.s32 @!p1 $0x1082;
	[sflag:s4] =	ssyncset.s32 $0xFFFFF086  }
0x25: {  	[simem:s6], [sflag:s4] =	dma.local [hbm:s3], $0xF7A  }
0x26: {  	[smem:$0x3F99] =	sst s1;
	(tag) =	ssettag s2;
	_ =	strace s9  }
0x27: {  	s1 =	sld [smem:$0x3FA9]  }
0x28: {  	s2 =	sld [smem:$0x3FAA]  }
0x29: {  	s4 =	sld [smem:$0x3FAC]  }
0x2a: {  	p0 =	seq.s32 s5, $0x0;
	s5 =	sld [smem:$0x3FAD]  }
0x2b: {  	s6 =	sld [smem:$0x3FAE]  }
0x2c: {  	s7 =	sld [smem:$0x3FAF]  }
0x2d: {  	s3 =	simm.s32 $0x108;
	s8 =	sld [smem:$0x3FB0]  }
0x2e: {  	s3 =	simm.s32 @!p0 $0x1082;
	s9 =	sld [smem:$0x3FB1]  }
0x2f: {  	lr =	sadd.s32 s0, s3;
	s0 =	sld [smem:$0x3FA8]  }
0x30: {  	s3 =	sld [smem:$0x3FAB]  }
0x31: {  	[smem:$0x3FB4] =	sst s10  }
0x32: {  	s10 =	sld [smem:$0x3FB2];
	_ =	sdelay $0x3  }
0x33: {  	p0 =	seq.s32 s10, $0x1;
	s10 =	sld [smem:$0x3FB4];
	_ =	sdelay $0x3  }
0x34: {  	[smem:$0x3FB4] =	sst s10  }
0x35: {  	s10 =	sld [smem:$0x3FB3];
	_ =	sdelay $0x3  }
0x36: {  	p1 =	seq.s32 s10, $0x1;
	s10 =	sld [smem:$0x3FB4];
	_ =	sdelay $0x3  }
0x37: {  	[smem:$0x3FB4] =	sst s10  }
0x38: {  	s10 =	sld [smem:$0x3FB5]  }
0x39: {  	_ = 	snop;
	(pc) =	sbr.ind lr, $3  }
0x3a: {  	_ = 	snop  }
0x3b: {  	_ = 	snop  }
0x3c: {  	p2 =	seq.s32 s10, $0x1;
	s10 =	sld [smem:$0x3FB4]  }
0x3d: {  	_ =	shalt  }
0x3e: {  	_ =	shalt  }
0x3f: {  	_ =	shalt  }
0x40: {  	_ =	shalt  }
0x41: {  	_ =	shalt  }
0x42: {  	_ =	shalt  }
0x43: {  	_ =	shalt  }
0x44: {  	_ =	shalt  }
0x45: {  	_ =	shalt  }
0x46: {  	_ =	shalt  }
0x47: {  	_ =	shalt  }
0x48: {  	_ =	shalt  }
0x49: {  	_ =	shalt  }
0x4a: {  	_ =	shalt  }
0x4b: {  	_ =	shalt  }
0x4c: {  	_ =	shalt  }
0x4d: {  	_ =	shalt  }
0x4e: {  	_ =	shalt  }
0x4f: {  	_ =	shalt  }
0x50: {  	_ =	shalt  }
0x51: {  	_ =	shalt  }
0x52: {  	_ =	shalt  }
0x53: {  	_ =	shalt  }
0x54: {  	_ =	shalt  }
0x55: {  	_ =	shalt  }
0x56: {  	_ =	shalt  }
0x57: {  	_ =	shalt  }
0x58: {  	_ =	shalt  }
0x59: {  	_ =	shalt  }
0x5a: {  	_ =	shalt  }
0x5b: {  	_ =	shalt  }
0x5c: {  	_ =	shalt  }
0x5d: {  	_ =	shalt  }
0x5e: {  	_ =	shalt  }
0x5f: {  	_ =	shalt  }
0x60: {  	_ =	shalt  }
0x61: {  	_ =	shalt  }
0x62: {  	_ =	shalt  }
0x63: {  	_ =	shalt  }
0x64: {  	_ =	shalt  }
0x65: {  	_ =	shalt  }
0x66: {  	_ =	shalt  }
0x67: {  	_ =	shalt  }
0x68: {  	_ =	shalt  }
0x69: {  	_ =	shalt  }
0x6a: {  	_ =	shalt  }
0x6b: {  	_ =	shalt  }
0x6c: {  	_ =	shalt  }
0x6d: {  	_ =	shalt  }
0x6e: {  	_ =	shalt  }
0x6f: {  	_ =	shalt  }
0x70: {  	_ =	shalt  }
0x71: {  	_ =	shalt  }
0x72: {  	_ =	shalt  }
0x73: {  	_ =	shalt  }
0x74: {  	_ =	shalt  }
0x75: {  	_ =	shalt  }
0x76: {  	_ =	shalt  }
0x77: {  	_ =	shalt  }
0x78: {  	_ =	shalt  }
0x79: {  	_ =	shalt  }
0x7a: {  	_ =	shalt  }
0x7b: {  	_ =	shalt  }
0x7c: {  	_ =	shalt  }
0x7d: {  	_ =	shalt  }
0x7e: {  	_ =	shalt  }
0x7f: {  	_ =	shalt  }
0x80: {  	_ =	shalt  }
0x81: {  	_ =	shalt  }
0x82: {  	_ =	shalt  }
0x83: {  	_ =	shalt  }
0x84: {  	_ =	shalt  }
0x85: {  	_ =	shalt  }
0x86: {  	_ =	shalt  }
0x87: {  	_ =	shalt  }
.Lfunc_end0:
.L_simem_size_0:
called_computation.1_lowered:
.L_overlay_start_0:
0x88: {  	s2 =	sld [smem:$0x3FD9]  }
0x89: {  	s3 =	sld [smem:$0x3FFE];
	_ =	sdelay $0x1  }
0x8a: {  	s1 =	srdreg.scid  }
0x8b: {  	s0 =	sand.u32 $0x1, s1  }
0x8c: {  	s16 =	sshll.u32 s0, $0xA;
	s2 =	sadd.s32 s3, s2  }
0x8d: {  	s2 =	sadd.s32 s2, s16  }
0x8e: {  	[smem:$0x3FC0] =	sst s2  }
0x8f: {  	_ = 	snop  }
0x90: {  	(tm) =	ssettm $0x1  }
0x91: {  	s17 =	sld [smem:$0x3FFB];
	_ =	sdelay $0x3  }
0x92: {  	_ =	strace s17  }
0x93: {  	s2 =	sld [smem:$0x3FFC];
	_ =	sdelay $0x3  }
0x94: {  	_ =	strace s2  }
0x95: {  	s2 =	sld [smem:$0x3FFD];
	_ =	sdelay $0x3  }
0x96: {  	_ =	strace s2  }
0x97: {  	_ =	strace $0x8FFFFFFF  }
0x98: {  	s18 =	sld [smem:$0x3FDB];
	_ =	sdelay $0x1  }
0x99: {  	s19 =	simm.s32 $_scs_section_size  }
0x9a: {  	s4 =	simm.s32 $_size__tile_overlayer_lowered;
	s5 =	simm.s32 $_tile_overlayer_lowered  }
0x9b: {  	s22 =	simm.s32 $0x1BFF;
	s21 =	sshll.u32 s5, $0x1;
	s2 =	sadd.s32 s19, s18  }
0x9c: {  	s6 =	simm.s32 $0x0;
	s20 =	sshll.u32 s4, $0x1;
	s4 =	sadd.s32 s21, s2  }
0x9d: {  	[timem:s6], [sflag:s22] =	dma.local [hbm:s4], s20  }
0x9e: {  	_ =	swait.ge [sflag:s22], s20  }
0x9f: {  	s3 =	ssub.s32 $0x0, s20;
	[sflag:s22] =	ssyncset.done $0x0  }
0xa0: {  	[sflag:s22] =	ssyncadd.s32 s3;
	_ =	sdelay $0x1  }
0xa1: {  	s23 =	simm.s32 $0x1B8B  }
0xa2: {  	_ =	swait.ge [sflag:s23], $0x1  }
0xa3: {  	[sflag:s23] =	ssyncset.done $0x0  }
0xa4: {  	s25 =	simm.s32 $0x1B8E;
	s24 =	sld [smem:$0x3FFE];
	[sflag:s23] =	ssyncadd.s32 $0xFFFFFFFF  }
0xa5: {  	s26 =	simm.s32 $execute0_lowered;
	[smem:$0x3FD2] =	sst s25  }
0xa6: {  	s4 =	sshll.u32 s26, $0x1;
	_ =	strace $0x80000049;
	[dreg:$0x1] =	wrdreg $0xFFFFFFFF  }
0xa7: {  	s28 =	simm.s32 $_size_execute0_lowered;
	s2 =	sadd.s32 s2, s4;
	[dreg:$0x0] =	wrdreg $0x0  }
0xa8: {  	s4 =	sshll.u32 s28, $0x1;
	[dreg:$0x2] =	wrdreg s2  }
0xa9: {  	[dreg:$0x3] =	wrdreg s4  }
0xaa: {  	[dreg:$0x4] =	wrdreg $0xC0  }
0xab: {  	_ =	task [dreg:s6], $0x5FFFF  }
0xac: {  	[dreg:$0x1] =	wrdreg $0xFFFFFFFF  }
0xad: {  	[dreg:$0x0] =	wrdreg $0x60  }
0xae: {  	[dreg:$0x2] =	wrdreg s24  }
0xaf: {  	[dreg:$0x3] =	wrdreg $0x9B000  }
0xb0: {  	[dreg:$0x4] =	wrdreg $0x1DB000  }
0xb1: {  	[dreg:$0x5] =	wrdreg $0x9  }
0xb2: {  	_ =	task.clear_ibuf [dreg:s6], $0x6FFFF;
	_ =	strace $0x90000049  }
0xb3: {  	s29 =	simm.s32 $0x9;
	_ =	strace $0x8000004B  }
0xb4: {  	_ =	swait.ge [sflag:s29], $0x1  }
0xb5: {  	[sflag:s29] =	ssyncadd.s32 $0xFFFFFFFF  }
0xb6: {  	_ =	strace $0x9000004B  }
0xb7: {  	_ =	sfence  }
0xb8: {  	s30 =	sld [smem:$0x0];
	_ =	sdelay $0x2  }
0xb9: {  	s31 =	sshll.u32 s1, $0xD;
	s1 =	sshrl.u32 s1, $0x2  }
0xba: {  	s3 =	sand.u32 $0x4000, s31;
	s1 =	sadd.s32 s1, s30  }
0xbb: {  	s0 =	sor.u32 s3, s0;
	s1 =	sshll.u32 s1, $0x11  }
0xbc: {  	s0 =	sor.u32 s1, s0  }
0xbd: {  	s0 =	sadd.s32 $0x8F2B, s0  }
0xbe: {  	[sflag:s0] =	ssyncadd.remote.s32 $0x1  }
0xbf: {  	_ =	sfence.sel $0xFFFF  }
0xc0: {  	[dreg:$0x0] =	wrdreg $0xFFFFFFFF;
	(pc) =	sbr.abs _section_cstart, $3  }
0xc1: {  	[dreg:$0x1] =	wrdreg $0xFFFFFFFF  }
0xc2: {  	_ =	task.clear_ibuf [dreg:s6], $0x2FFFF;
	_ =	strace $0x9FFFFFFF  }
0xc3: {  	(tm) =	ssettm $0x7FFFFFFF  }
tec
execute0_lowered:
.L_overlay_start_1:
0x0: {  	(tag) =	ssettag $0x1  }
0x1: {  	s8 =	rddreg [dreg:$0x0]  }
0x2: {  	s0 =	srdreg.scid;
	s2 =	rddreg [dreg:$0x1]  }
0x3: {  	s3 =	rddreg [dreg:$0x2];
	s4 =	simm.s32 $0x0;
	s16 =	simm.s32 $0x9080  }
0x4: {  	s17 =	simm.s32 $0x9880;
	s18 =	simm.s32 $0x80;
	s19 =	simm.s32 $0x5000  }
0x5: {  	s20 =	simm.s32 $0x1;
	s21 =	simm.s32 $0x9000;
	s7 =	sand.u32 $0x1, s0  }
0x6: {  	s22 =	simm.s32 $0x20;
	s0 =	stileid.u32;
	s6 =	smul.u32 $0x140000, s7  }
0x7: {  	s23 =	simm.s32 $0x10;
	s24 =	simm.s32 $0x0;
	s9 =	smul.u32 $0x14000, s0  }
0x8: {  	[smem:$0x7FF] =	sst s4;
	s1 =	sshll.u32 s7, $0x4;
	s26 =	smul.u32 $0x500, s0  }
0x9: {  	s12 =	sshll.u32 s7, $0x7;
	s7 =	ssub.s32 $0x2, s7;
	s28 =	smul.u32 $0x50000, s0  }
0xa: {  	s14 =	smul.u32 $0xA00, s0;
	s1 =	sor.u32 s0, s1;
	s29 =	sshrl.u32 s7, $0x1  }
0xb: {  	s5 =	smul.u32 $0x500, s1;
	s1 =	rddreg [dreg:$0x3];
	_ =	strace $0x8000004A  }
0xc: {  	s6 =	sadd.s32 s9, s6;
	s9 =	sor.u32 s12, s26;
	s15 =	ssub.s32 s7, s29  }
0xd: {  	s30 =	sshrl.u32 s28, $0x2;
	s31 =	sshrl.u32 s14, $0x2;
	s14 =	simm.s32 $0x2  }
0xe: {  	s11 =	sshrl.u32 s6, $0x3;
	s6 =	sadd.s32 $0x3D800, s8;
	s9 =	sshrl.u32 s9, $0x3  }
0xf: {  	s10 =	sadd.s32 s5, s8;
	s5 =	sadd.s32 $0x15800, s8;
	s11 =	sadd.s32 s11, s8  }
0x10: {  	s13 =	sadd.s32 s9, s8;
	s9 =	sadd.s32 s30, s2;
	s7 =	sadd.s32 $0x1800, s10  }
0x11: {  	s8 =	sadd.s32 $0xB800, s10;
	s10 =	sadd.s32 s31, s3;
	s11 =	sadd.s32 $0x3E800, s11  }
0x12: {  	v0 =	vimm.f32 $0.0e+00;
	s12 =	sadd.s32 $0x3DE00, s13;
	s13 =	smax.u32 s15, $0x1;
	s15 =	simm.s32 $0x2800  }
.LBB2_1:
0x13: {  	[tilespmem:s4], [sflag:$0x2] =	stream.linear.gather [hbm4b:s7+s4], $0x2780, $0x38;
	[tilespmem:$0x1DD80] =	vst v63  }
0x14: {  	_ =	swait.ge [sflag:s14], $0x2780  }
0x15: {  	[sflag:s14] =	ssyncset.done $0x0  }
0x16: {  	[sflag:s14] =	ssyncadd.s32 $0xFFFFD880  }
0x17: {  	[tilespmem:s15], [sflag:$0x2] =	stream.linear.gather [hbm4b:s8+s4], $0x2780, $0x38;
	[tilespmem:$0x1DD80] =	vst v63  }
0x18: {  	_ =	swait.ge [sflag:s14], $0x2780  }
0x19: {  	[sflag:s14] =	ssyncset.done $0x0  }
0x1a: {  	s25 =	simm.s32 $0x0;
	s26 =	simm.s32 $0x200;
	[sflag:s14] =	ssyncadd.s32 $0xFFFFD880  }
.LBB2_2:
0x1b: {  	p0 =	sne.s32 s26, $0x1E00;
	[tilespmem:s25+$0x90F0] =	vst v0  }
0x1c: {  	[tilespmem:s25+$0x9080] =	vst v0  }
0x1d: {  	[tilespmem:s25+$0x9090] =	vst v0  }
.Ltmp0:
0x1e: {  	[tilespmem:s25+$0x90A0] =	vst v0;
	(pc) =	sbr.rel @p0 .LBB2_2-.Ltmp0, $4  }
0x1f: {  	[tilespmem:s25+$0x90B0] =	vst v0  }
0x20: {  	[tilespmem:s25+$0x90C0] =	vst v0  }
0x21: {  	[tilespmem:s25+$0x90D0] =	vst v0  }
0x22: {  	[tilespmem:s25+$0x90E0] =	vst v0;
	s25 =	sshra.s32 s26, $0x2;
	s26 =	sadd.s32 $0x200, s26  }
0x23: {  	[tilespmem:s25+$0x90F0] =	vst v0  }
0x24: {  	[tilespmem:s25+$0x9080] =	vst v0  }
0x25: {  	[tilespmem:s25+$0x9090] =	vst v0  }
0x26: {  	[tilespmem:s25+$0x90A0] =	vst v0  }
0x27: {  	[tilespmem:s25+$0x90B0] =	vst v0  }
0x28: {  	[tilespmem:s25+$0x90C0] =	vst v0  }
0x29: {  	[tilespmem:s25+$0x90D0] =	vst v0  }
0x2a: {  	[tilespmem:s25+$0x90E0] =	vst v0  }
0x2b: {  	[tilespmem:$0x9880] =	vst v0  }
0x2c: {  	[tilespmem:$0x9890] =	vst v0  }
0x2d: {  	[tilespmem:$0x98A0] =	vst v0  }
0x2e: {  	[tilespmem:$0x98B0] =	vst v0  }
0x2f: {  	[tilespmem:$0x98C0] =	vst v0  }
0x30: {  	[tilespmem:$0x98D0] =	vst v0  }
0x31: {  	[tilespmem:$0x98E0] =	vst v0  }
0x32: {  	[tilespmem:$0x98F0] =	vst v0  }
0x33: {  	[tilespmem:$0x9900] =	vst v0  }
0x34: {  	[tilespmem:$0x9910] =	vst v0  }
0x35: {  	[tilespmem:$0x9920] =	vst v0  }
0x36: {  	[tilespmem:$0x9930] =	vst v0  }
0x37: {  	[tilespmem:$0x9940] =	vst v0  }
0x38: {  	[tilespmem:$0x9950] =	vst v0  }
0x39: {  	[tilespmem:$0x9960] =	vst v0  }
0x3a: {  	[tilespmem:$0x9970] =	vst v0  }
0x3b: {  	[tilespmem:$0x9980] =	vst v0  }
0x3c: {  	[tilespmem:$0x9990] =	vst v0  }
0x3d: {  	[tilespmem:$0x99A0] =	vst v0  }
0x3e: {  	[tilespmem:$0x99B0] =	vst v0  }
0x3f: {  	[tilespmem:$0x99C0] =	vst v0  }
0x40: {  	[tilespmem:$0x99D0] =	vst v0  }
0x41: {  	[tilespmem:$0x99E0] =	vst v0  }
0x42: {  	[tilespmem:$0x99F0] =	vst v0  }
0x43: {  	[tilespmem:$0x9A00] =	vst v0  }
0x44: {  	[tilespmem:$0x9A10] =	vst v0  }
0x45: {  	[tilespmem:$0x9A20] =	vst v0  }
0x46: {  	[tilespmem:$0x9A30] =	vst v0  }
0x47: {  	[tilespmem:$0x9A40] =	vst v0  }
0x48: {  	[tilespmem:$0x9A50] =	vst v0  }
0x49: {  	[tilespmem:$0x9A60] =	vst v0  }
0x4a: {  	[tilespmem:$0x9A70] =	vst v0  }
0x4b: {  	[tilespmem:$0x9A80] =	vst v0  }
0x4c: {  	[tilespmem:$0x9A90] =	vst v0  }
0x4d: {  	[tilespmem:$0x9AA0] =	vst v0  }
0x4e: {  	[tilespmem:$0x9AB0] =	vst v0  }
0x4f: {  	[tilespmem:$0x9AC0] =	vst v0  }
0x50: {  	[tilespmem:$0x9AD0] =	vst v0  }
0x51: {  	[tilespmem:$0x9AE0] =	vst v0  }
0x52: {  	s31 =	sadd.s32 $0x0, s9;
	[tilespmem:$0x9AF0] =	vst v0  }
0x53: {  	[spmem:s31] =	stream.linear.scatter [tilespmem:s16], [sflag:$0x2], $0x800, $0x38;
	[tilespmem:$0x1DD80] =	vst v63  }
0x54: {  	s25 =	simm.s32 $0x2000;
	_ =	swait.ge [sflag:s14], $0x800  }
.LBB2_4:
0x55: {  	s26 =	sshra.s32 s25, $0x2;
	[sflag:s14] =	ssyncset.done $0x0;
	p0 =	sne.s32 s25, $0x4E000  }
.Ltmp1:
0x56: {  	s26 =	sadd.s32 s26, s9;
	[sflag:s14] =	ssyncadd.s32 $0xFFFFF800;
	(pc) =	sbr.rel @p0 .LBB2_4-.Ltmp1, $3  }
0x57: {  	[spmem:s26] =	stream.linear.scatter [tilespmem:s16], [sflag:$0x2], $0x800, $0x38;
	[tilespmem:$0x1DD80] =	vst v63  }
0x58: {  	s25 =	sadd.s32 $0x2000, s25;
	_ =	sdelay $0x1  }
0x59: {  	_ =	swait.ge [sflag:s14], $0x800  }
0x5a: {  	[sflag:s14] =	ssyncset.done $0x0  }
0x5b: {  	[sflag:s14] =	ssyncadd.s32 $0xFFFFF800  }
0x5c: {  	[spmem:s10] =	stream.linear.scatter [tilespmem:s17], [sflag:$0x2], $0x280, $0x38;
	[tilespmem:$0x1DD80] =	vst v63  }
0x5d: {  	_ =	swait.ge [sflag:s14], $0x280  }
0x5e: {  	[sflag:s14] =	ssyncset.done $0x0  }
0x5f: {  	[sflag:s14] =	ssyncadd.s32 $0xFFFFFD80  }
0x60: {  	s25 =	simm.s32 $0x0;
	[bflag:$0x0] =	sbarrier.arrive $0xFFFF  }
0x61: {  	[tilespmem:s19], [sflag:$0x1] =	stream.indirect.gather [hbm4b:s5+s18], $0x80, s25, s18, $0xb8;
	[tilespmem:$0x1DD80] =	vst v63  }
0x62: {  	_ =	swait.ge [sflag:s20], $0x4000  }
0x63: {  	[sflag:s20] =	ssyncset.done $0x0  }
0x64: {  	s26 =	simm.s32 $0x2800;
	[sflag:s20] =	ssyncadd.s32 $0xFFFFC000  }
0x65: {  	[spmem:s2] =	stream.indirect.scatter.add.f32 [tilespmem:s19], [sflag:$0x2], $0x80, s26, s18, $0xb8;
	[tilespmem:$0x1DD80] =	vst v63  }
0x66: {  	_ =	swait.ge [sflag:s14], $0x4000  }
0x67: {  	[sflag:s14] =	ssyncset.done $0x0  }
0x68: {  	[sflag:s14] =	ssyncadd.s32 $0xFFFFC000  }
0x69: {  	[tilespmem:s21], [sflag:$0x1] =	stream.indirect.gather [hbm4b:s6+s18], $0x1, s26, s18, $0xb8;
	[tilespmem:$0x1DD80] =	vst v63  }
0x6a: {  	_ =	swait.ge [sflag:s20], $0x80  }
0x6b: {  	[sflag:s20] =	ssyncset.done $0x0  }
0x6c: {  	[sflag:s20] =	ssyncadd.s32 $0xFFFFFF80  }
0x6d: {  	[spmem:s3] =	stream.indirect.scatter.add.f32 [tilespmem:s21], [sflag:$0x2], $0x1, s25, s18, $0xb8;
	[tilespmem:$0x1DD80] =	vst v63  }
0x6e: {  	_ =	swait.ge [sflag:s14], $0x80  }
0x6f: {  	s26 =	simm.s32 $0x400;
	s25 =	simm.s32 $0x200;
	[sflag:s14] =	ssyncset.done $0x0  }
.LBB2_6:
0x70: {  	s28 =	sshra.s32 s25, $0x2  }
0x71: {  	[sflag:s14] =	ssyncadd.s32 $0xFFFFFF80;
	s25 =	smov.u32 s26;
	s29 =	sadd.s32 $0x200, s26  }
0x72: {  	[tilespmem:s19], [sflag:$0x1] =	stream.indirect.gather [hbm4b:s5+s18], $0x80, s28, s18, $0xb8;
	[tilespmem:$0x1DD80] =	vst v63  }
0x73: {  	p0 =	sne.s32 s26, $0x9C00;
	_ =	swait.ge [sflag:s20], $0x4000  }
0x74: {  	[sflag:s20] =	ssyncset.done $0x0  }
0x75: {  	s26 =	sadd.s32 $0x2800, s28;
	[sflag:s20] =	ssyncadd.s32 $0xFFFFC000  }
0x76: {  	[spmem:s2] =	stream.indirect.scatter.add.f32 [tilespmem:s19], [sflag:$0x2], $0x80, s26, s18, $0xb8;
	[tilespmem:$0x1DD80] =	vst v63  }
0x77: {  	_ =	swait.ge [sflag:s14], $0x4000  }
0x78: {  	[sflag:s14] =	ssyncset.done $0x0  }
0x79: {  	[sflag:s14] =	ssyncadd.s32 $0xFFFFC000  }
0x7a: {  	[tilespmem:s21], [sflag:$0x1] =	stream.indirect.gather [hbm4b:s6+s18], $0x1, s26, s18, $0xb8;
	[tilespmem:$0x1DD80] =	vst v63  }
0x7b: {  	_ =	swait.ge [sflag:s20], $0x80  }
.Ltmp2:
0x7c: {  	[sflag:s20] =	ssyncset.done $0x0;
	(pc) =	sbr.rel @p0 .LBB2_6-.Ltmp2, $4  }
0x7d: {  	[sflag:s20] =	ssyncadd.s32 $0xFFFFFF80  }
0x7e: {  	[spmem:s3] =	stream.indirect.scatter.add.f32 [tilespmem:s21], [sflag:$0x2], $0x1, s28, s18, $0xb8;
	[tilespmem:$0x1DD80] =	vst v63  }
0x7f: {  	_ =	swait.ge [sflag:s14], $0x80  }
0x80: {  	s26 =	smov.u32 s29;
	[sflag:s14] =	ssyncset.done $0x0  }
0x81: {  	s25 =	sshra.s32 s25, $0x2;
	[sflag:s14] =	ssyncadd.s32 $0xFFFFFF80  }
0x82: {  	[tilespmem:s19], [sflag:$0x1] =	stream.indirect.gather [hbm4b:s5+s18], $0x80, s25, s18, $0xb8;
	[tilespmem:$0x1DD80] =	vst v63  }
0x83: {  	_ =	swait.ge [sflag:s20], $0x4000  }
0x84: {  	[sflag:s20] =	ssyncset.done $0x0  }
0x85: {  	s26 =	sadd.s32 $0x2800, s25;
	[sflag:s20] =	ssyncadd.s32 $0xFFFFC000  }
0x86: {  	[spmem:s2] =	stream.indirect.scatter.add.f32 [tilespmem:s19], [sflag:$0x2], $0x80, s26, s18, $0xb8;
	[tilespmem:$0x1DD80] =	vst v63  }
0x87: {  	_ =	swait.ge [sflag:s14], $0x4000  }
0x88: {  	[sflag:s14] =	ssyncset.done $0x0  }
0x89: {  	[sflag:s14] =	ssyncadd.s32 $0xFFFFC000  }
0x8a: {  	[tilespmem:s21], [sflag:$0x1] =	stream.indirect.gather [hbm4b:s6+s18], $0x1, s26, s18, $0xb8;
	[tilespmem:$0x1DD80] =	vst v63  }
0x8b: {  	_ =	swait.ge [sflag:s20], $0x80  }
0x8c: {  	[sflag:s20] =	ssyncset.done $0x0  }
0x8d: {  	[sflag:s20] =	ssyncadd.s32 $0xFFFFFF80  }
0x8e: {  	[spmem:s3] =	stream.indirect.scatter.add.f32 [tilespmem:s21], [sflag:$0x2], $0x1, s25, s18, $0xb8;
	[tilespmem:$0x1DD80] =	vst v63  }
0x8f: {  	_ =	swait.ge [sflag:s14], $0x80  }
0x90: {  	[sflag:s14] =	ssyncset.done $0x0  }
0x91: {  	s29 =	sshll.u32 s0, $0x6;
	[sflag:s14] =	ssyncadd.s32 $0xFFFFFF80  }
0x92: {  	s30 =	sshrl.u32 s9, $0x3;
	s25 =	sor.u32 $0x1C02, s29;
	[bflag:$0x0] =	sbarrier.arrive $0xFFFF  }
0x93: {  	[hbm:s11], [sflag:s25] =	dma.local [spmem:s30], $0x2800  }
0x94: {  	s24 =	sadd.s32 $0x1, s24;
	_ =	swait.ge [sflag:s14], $0x2800  }
0x95: {  	p0 =	sne.s32 s24, s13;
	[sflag:s14] =	ssyncset.done $0x0  }
.Ltmp3:
0x96: {  	s31 =	sshrl.u32 s10, $0x3;
	[sflag:s14] =	ssyncadd.s32 $0xFFFFD800;
	(pc) =	sbr.rel @p0 .LBB2_1-.Ltmp3, $4  }
0x97: {  	[hbm:s12@s22], [sflag:s25] =	dma.strided [spmem:s31@s23], $0x50, s20, $0x10   }
0x98: {  	_ =	swait.ge [sflag:s14], $0x50  }
0x99: {  	[sflag:s14] =	ssyncset.done $0x0  }
0x9a: {  	[sflag:s14] =	ssyncadd.s32 $0xFFFFFFB0  }
0x9b: {  	_ =	sfence.sel $0x180000  }
0x9c: {  	[bflag:$0x0] =	sbarrier.arrive $0xFFFF  }
0x9d: {  	p0 =	sne.s32 s0, $0x0;
	_ =	strace $0x9000004A  }
0x9e: {  	s0 =	sadd.s32 @!p0 $0x100000, s1;
	[bflag:$0x2] =	sbarrier.arrive $0xFFFF  }
0x9f: {  	[sflag:s0] =	ssyncadd.tile.s32 @!p0 $0x1;
	_ =	shalt  }
.Lfunc_end2:
_tile_overlayer_lowered:
.L_overlay_start_2:
0xa0: {  	(tag) =	ssettag $0x2  }
0xa1: {  	s0 =	rddreg [dreg:$0x0];
	s2 =	stileid.u32  }
0xa2: {  	s1 =	rddreg [dreg:$0x1];
	p0 =	sne.s32 s2, $0x0  }
0xa3: {  	s3 =	rddreg [dreg:$0x2];
	[bflag:$0x3] =	sbarrier.arrive $0xFFFF;
	s2 =	simm.s32 @!p0 $0x1C02  }
0xa4: {  	[timem:s3], [sflag:s2] =	dma.local @!p0 [hbm:s0], s1  }
0xa5: {  	s0 =	simm.s32 @!p0 $0x2  }
0xa6: {  	_ =	swait.ge @!p0 [sflag:s0], s1  }
0xa7: {  	s1 =	ssub.s32 @!p0 $0x0, s1;
	[sflag:s0] =	ssyncset.done @!p0 $0x0  }
0xa8: {  	[sflag:s0] =	ssyncadd.s32 @!p0 s1  }
0xa9: {  	[bflag:$0x3] =	sbarrier.arrive $0xFFFF  }
0xaa: {  	_ =	shalt  }

</sc_bundles>
